<compile_context>
chip_gen: v7x
topology: tpu7x:2x2x1
jax: 0.10.2.dev20260603
libtpu: 0.0.44.dev20260713+nightly
codegen_flags: <defaults>
</compile_context>

<pallas_src>
import functools

import jax
import jax.numpy as jnp
from jax import lax
from jax.experimental import pallas as pl
from jax.experimental.pallas import tpu as pltpu
from jax.experimental.pallas import tpu_sc as plsc

B, D, H, W = 8, 128, 128, 128
HW = H * W
MI = 23

WB = 1024
NJ = HW // WB

L = 16
NROW = B * MI
NW = 32
NCH = HW // L


def _sc_bias_body(msk_hbm, bias_hbm, msk_v, bias_v):
    wid = lax.axis_index("s") * 2 + lax.axis_index("c")

    def row_step(r, _):
        src = (r // MI) * (MI + 1) + (r % MI) + 1
        pltpu.sync_copy(msk_hbm.at[src], msk_v)

        def ch_step(c, _):
            m = msk_v[pl.ds(c * L, L)] > 0
            zero = jnp.zeros((L,), jnp.float32)
            neg = jnp.full((L,), -jnp.inf, jnp.float32)
            bias_v[pl.ds(c * L, L)] = jnp.where(m, zero, neg)
            return 0

        lax.fori_loop(0, NCH, ch_step, 0)
        pltpu.sync_copy(bias_v, bias_hbm.at[r])
        return 0

    nfull = NROW // NW
    lax.fori_loop(0, nfull, lambda k, _: row_step(wid + k * NW, _), 0)

    @pl.when(wid < NROW - nfull * NW)
    def _tail():
        row_step(wid + nfull * NW, 0)


def _tc_body(enc_ref, bias_ref, out_ref, acc_ref):
    j = pl.program_id(1)

    @pl.when(j == 0)
    def _init():
        acc_ref[...] = jnp.full_like(acc_ref, -jnp.inf)

    enc = enc_ref[0].astype(jnp.bfloat16)
    bias = bias_ref[0].astype(jnp.bfloat16)
    for i in range(MI):
        bi = jnp.broadcast_to(bias[i][None, :], (D, WB))
        masked = enc + bi
        f = jnp.maximum(masked[:, :WB // 2], masked[:, WB // 2:])
        f = jnp.maximum(f[:, :WB // 4], f[:, WB // 4:])
        f = jnp.maximum(f[:, :WB // 8], f[:, WB // 8:])
        acc_ref[i] = jnp.maximum(acc_ref[i], f)

    @pl.when(j == NJ - 1)
    def _finish():
        out_ref[0] = jnp.max(acc_ref[...], axis=-1).astype(jnp.float32)


@jax.jit
def kernel(encoded, masks):
    enc = encoded.reshape(B, D, HW)
    msk = masks.reshape(B * (MI + 1), HW)

    mesh = plsc.VectorSubcoreMesh(core_axis_name="c", subcore_axis_name="s")
    bias = pl.kernel(
        _sc_bias_body,
        out_type=jax.ShapeDtypeStruct((NROW, HW), jnp.float32),
        mesh=mesh,
        scratch_types=[
            pltpu.VMEM((HW,), jnp.int32),
            pltpu.VMEM((HW,), jnp.float32),
        ],
    )(msk)

    out = pl.pallas_call(
        _tc_body,
        grid=(B, NJ),
        in_specs=[
            pl.BlockSpec((1, D, WB), lambda b, j: (b, 0, j)),
            pl.BlockSpec((1, MI, WB), lambda b, j: (b, 0, j)),
        ],
        out_specs=pl.BlockSpec((1, MI, D), lambda b, j: (b, 0, 0)),
        out_shape=jax.ShapeDtypeStruct((B, MI, D), jnp.float32),
        scratch_shapes=[pltpu.VMEM((MI, D, 128), jnp.bfloat16)],
        compiler_params=pltpu.CompilerParams(
            dimension_semantics=("arbitrary", "arbitrary"),
        ),
    )(enc, bias.reshape(B, MI, HW))
    return jnp.transpose(out, (0, 2, 1))[:, :, :, None]

# --- scband reference (transcript-rebuilt; emitter-appended) ---
"""Pipeline reference for scband-vectors-from-mask-83760452206670 (READ-ONLY COPY).

The authoritative reference and input builder live on the scoring server;
editing this copy changes nothing except your own understanding.
"""

import jax, jax.numpy as jnp
import numpy as np

B, D, H, W = 8, 128, 128, 128
M = 24
SKIP_ZERO = True

def setup_inputs(seed: int = 0) -> dict:
    key = jax.random.key(seed)
    k1, k2 = jax.random.split(key)
    encoded = jax.random.normal(k1, (B, D, H, W), dtype=jnp.float32)
    masks = jax.random.randint(k2, (B, M, H, W), 0, 2).astype(jnp.int32)
    return {"encoded": encoded, "masks": masks}

def reference(encoded, masks):
    # Faithful translation of VectorsFromMask.forward.
    # torch: encoded transposed to [D,B,H,W]; for each mask channel i (skipping 0),
    # per-batch boolean-select spatial positions and take max over them -> [B, D].
    # Equivalent masked max: where(mask, encoded, -inf).max over (H, W).
    m = masks.astype(bool)
    start = 1 if SKIP_ZERO else 0
    neg = jnp.array(-jnp.inf, dtype=encoded.dtype)
    vecs = []
    for i in range(start, m.shape[1]):
        cur = m[:, i, :, :]  # [B, H, W] bool
        masked = jnp.where(cur[:, None, :, :], encoded, neg)  # [B, D, H, W]
        vecs.append(jnp.max(masked, axis=(2, 3)))  # [B, D]
    vec = jnp.stack(vecs, axis=1)  # [B, M', D]
    out = jnp.transpose(vec, (0, 2, 1))[:, :, :, None]  # [B, D, M', 1]
    return out

if __name__ == "__main__":
    import jax
    _d = setup_inputs()
    print(jax.jit(kernel)(*tuple(_d.values())))

</pallas_src>

<mosaic_0001>
#map = affine_map<(d0, d1) -> (0, 0)>
module attributes {stable_mosaic.version = 14 : i64} {
  func.func @_sc_bias_body(%arg0: i32, %arg1: i32, %arg2: memref<192x16384xi32, #tpu.memory_space<hbm>>, %arg3: memref<184x16384xf32, #tpu.memory_space<hbm>>, %arg4: memref<16384xi32, #tpu.memory_space<vmem>>, %arg5: memref<16384xf32, #tpu.memory_space<vmem>>) attributes {dimension_semantics = [#tpu.dimension_semantics<core_parallel>, #tpu.dimension_semantics<subcore_parallel>], iteration_bounds = array<i64: 2, 16>, scalar_prefetch = 0 : i64, scratch_operands = 2 : i64, tpu.core_type = #tpu.core_type<sc_vector_subcore>, window_params = [{transform_indices = #map}, {transform_indices = #map}]} {
    %mul3A = arith.constant 2 : i32
    %mul3A_0 = arith.muli %arg1, %mul3A : i32
    %add3A = arith.addi %mul3A_0, %arg0 : i32
    %scan3A = arith.constant 0 : i32
    %scan3A_1 = arith.constant 0 : i32
    %scan3A_2 = arith.constant 5 : i32
    %scan3A_3 = arith.addi %scan3A_1, %scan3A_2 : i32
    %scan3A_4 = arith.constant 1 : i32
    %scan3A_5 = scf.for %scan3A_9 = %scan3A_1 to %scan3A_3 step %scan3A_4 iter_args(%scan3A_10 = %scan3A) -> (i32)  : i32 {
      %mul3A_11 = arith.constant 32 : i32
      %mul3A_12 = arith.muli %scan3A_9, %mul3A_11 : i32
      %add3A_13 = arith.addi %add3A, %mul3A_12 : i32
      %jit3A = arith.constant 23 : i32
      %div3A = arith.divsi %add3A_13, %jit3A : i32
      %sign3A = arith.constant 0 : i32
      %sign3A_14 = arith.cmpi sgt, %add3A_13, %sign3A : i32
      %sign3A_15 = arith.extui %sign3A_14 : i1 to i32
      %sign3A_16 = arith.constant 0 : i32
      %sign3A_17 = arith.cmpi slt, %add3A_13, %sign3A_16 : i32
      %sign3A_18 = arith.extui %sign3A_17 : i1 to i32
      %sign3A_19 = arith.subi %sign3A_15, %sign3A_18 : i32
      %sign3A_20 = arith.constant 0 : i32
      %sign3A_21 = arith.cmpi sgt, %jit3A, %sign3A_20 : i32
      %sign3A_22 = arith.extui %sign3A_21 : i1 to i32
      %sign3A_23 = arith.constant 0 : i32
      %sign3A_24 = arith.cmpi slt, %jit3A, %sign3A_23 : i32
      %sign3A_25 = arith.extui %sign3A_24 : i1 to i32
      %sign3A_26 = arith.subi %sign3A_22, %sign3A_25 : i32
      %ne3A = arith.cmpi ne, %sign3A_19, %sign3A_26 : i32
      %rem3A = arith.remsi %add3A_13, %jit3A : i32
      %ne3A_27 = arith.constant 0 : i32
      %ne3A_28 = arith.cmpi ne, %rem3A, %ne3A_27 : i32
      %and3A = arith.andi %ne3A, %ne3A_28 : i1
      %sub3A = arith.constant 1 : i32
      %sub3A_29 = arith.subi %div3A, %sub3A : i32
      %select_n3A = arith.select %and3A, %sub3A_29, %div3A : i32
      %mul3A_30 = arith.constant 24 : i32
      %mul3A_31 = arith.muli %select_n3A, %mul3A_30 : i32
      %jit3A_32 = arith.constant 23 : i32
      %eq3A = arith.constant 0 : i32
      %eq3A_33 = arith.cmpi eq, %jit3A_32, %eq3A : i32
      %jit3A_34 = arith.constant 1 : i32
      %select_n3A_35 = arith.select %eq3A_33, %jit3A_34, %jit3A_32 : i32
      %rem3A_36 = arith.remsi %add3A_13, %select_n3A_35 : i32
      %ne3A_37 = arith.constant 0 : i32
      %ne3A_38 = arith.cmpi ne, %rem3A_36, %ne3A_37 : i32
      %lt3A_39 = arith.constant 0 : i32
      %lt3A_40 = arith.cmpi slt, %rem3A_36, %lt3A_39 : i32
      %lt3A_41 = arith.constant 0 : i32
      %lt3A_42 = arith.cmpi slt, %select_n3A_35, %lt3A_41 : i32
      %ne3A_43 = arith.xori %lt3A_40, %lt3A_42 : i1
      %and3A_44 = arith.andi %ne3A_43, %ne3A_38 : i1
      %add3A_45 = arith.addi %rem3A_36, %select_n3A_35 : i32
      %select_n3A_46 = arith.select %and3A_44, %add3A_45, %rem3A_36 : i32
      %add3A_47 = arith.addi %mul3A_31, %select_n3A_46 : i32
      %add3A_48 = arith.constant 1 : i32
      %add3A_49 = arith.addi %add3A_47, %add3A_48 : i32
      "tpu.region"() ({
        %run_scoped3A = tpu.sem_alloc : memref<!tpu.dma_semaphore, #tpu.memory_space<semaphore_mem>>
        %dma_start3A = arith.constant 0 : i32
        %dma_start3A_58 = tpu.memref_slice %arg2[%add3A_49, %dma_start3A] : memref<192x16384xi32, #tpu.memory_space<hbm>> -> memref<1x16384xi32, #tpu.memory_space<hbm>>
        %dma_start3A_59 = tpu.memref_squeeze %dma_start3A_58 : memref<1x16384xi32, #tpu.memory_space<hbm>> -> memref<16384xi32, #tpu.memory_space<hbm>>
        %dma_start3A_60 = arith.constant 0 : i32
        %dma_start3A_61 = tpu.memref_slice %arg2[%add3A_49, %dma_start3A_60] : memref<192x16384xi32, #tpu.memory_space<hbm>> -> memref<1x16384xi32, #tpu.memory_space<hbm>>
        %dma_start3A_62 = tpu.memref_squeeze %dma_start3A_61 : memref<1x16384xi32, #tpu.memory_space<hbm>> -> memref<16384xi32, #tpu.memory_space<hbm>>
        tpu.enqueue_dma source(%dma_start3A_62 : memref<16384xi32, #tpu.memory_space<hbm>>) target(%arg4 : memref<16384xi32, #tpu.memory_space<vmem>>) target_semaphore(%run_scoped3A : memref<!tpu.dma_semaphore, #tpu.memory_space<semaphore_mem>>)
        %dma_wait3A = arith.constant 0 : i32
        %dma_wait3A_63 = tpu.memref_slice %arg2[%add3A_49, %dma_wait3A] : memref<192x16384xi32, #tpu.memory_space<hbm>> -> memref<1x16384xi32, #tpu.memory_space<hbm>>
        %dma_wait3A_64 = tpu.memref_squeeze %dma_wait3A_63 : memref<1x16384xi32, #tpu.memory_space<hbm>> -> memref<16384xi32, #tpu.memory_space<hbm>>
        %dma_wait3A_65 = arith.constant 0 : i32
        %dma_wait3A_66 = tpu.memref_slice %arg2[%add3A_49, %dma_wait3A_65] : memref<192x16384xi32, #tpu.memory_space<hbm>> -> memref<1x16384xi32, #tpu.memory_space<hbm>>
        %dma_wait3A_67 = tpu.memref_squeeze %dma_wait3A_66 : memref<1x16384xi32, #tpu.memory_space<hbm>> -> memref<16384xi32, #tpu.memory_space<hbm>>
        tpu.wait_dma2 semaphore(%run_scoped3A : memref<!tpu.dma_semaphore, #tpu.memory_space<semaphore_mem>>) src(%dma_wait3A_67 : memref<16384xi32, #tpu.memory_space<hbm>>) dst(%arg4 : memref<16384xi32, #tpu.memory_space<vmem>>)
        tpu.yield
      }) : () -> ()
      %scan3A_50 = arith.constant 0 : i32
      %scan3A_51 = arith.constant 0 : i32
      %scan3A_52 = arith.constant 1024 : i32
      %scan3A_53 = arith.addi %scan3A_51, %scan3A_52 : i32
      %scan3A_54 = arith.constant 1 : i32
      %scan3A_55 = scf.for %scan3A_58 = %scan3A_51 to %scan3A_53 step %scan3A_54 iter_args(%scan3A_59 = %scan3A_50) -> (i32)  : i32 {
        %mul3A_60 = arith.constant 16 : i32
        %mul3A_61 = arith.muli %scan3A_58, %mul3A_60 : i32
        %get3A = arith.index_cast %mul3A_61 : i32 to index
        %get3A_62 = tpu.vector_load %arg4[%get3A] {strides = array<i32>} : memref<16384xi32, #tpu.memory_space<vmem>>, vector<16xi32>,
        %get3A_63 = vector.shape_cast %get3A_62 : vector<16xi32> to vector<16xi32>
        %gt3A = arith.constant 0 : i32
        %gt3A_64 = vector.broadcast %gt3A : i32 to vector<16xi32>
        %gt3A_65 = arith.cmpi sgt, %get3A_63, %gt3A_64 : vector<16xi32>
        %broadcast_in_dim3A = arith.constant 0.000000e+00 : f32
        %broadcast_in_dim3A_66 = vector.broadcast %broadcast_in_dim3A : f32 to vector<16xf32>
        %broadcast_in_dim3A_67 = arith.constant 0xFF800000 : f32
        %broadcast_in_dim3A_68 = vector.broadcast %broadcast_in_dim3A_67 : f32 to vector<16xf32>
        %select_n3A_69 = arith.select %gt3A_65, %broadcast_in_dim3A_66, %broadcast_in_dim3A_68 : vector<16xi1>, vector<16xf32>
        %mul3A_70 = arith.constant 16 : i32
        %mul3A_71 = arith.muli %scan3A_58, %mul3A_70 : i32
        %swap3A = arith.index_cast %mul3A_71 : i32 to index
        %swap3A_72 = tpu.vector_load %arg5[%swap3A] {strides = array<i32>} : memref<16384xf32, #tpu.memory_space<vmem>>, vector<16xf32>,
        %swap3A_73 = vector.shape_cast %swap3A_72 : vector<16xf32> to vector<16xf32>
        %swap3A_74 = vector.shape_cast %select_n3A_69 : vector<16xf32> to vector<16xf32>
        tpu.vector_store %arg5[%swap3A], %swap3A_74 {strides = array<i32>} : memref<16384xf32, #tpu.memory_space<vmem>>, vector<16xf32>,
        %scan3A_75 = arith.constant 0 : i32
        scf.yield %scan3A_75 : i32
      }
      %scan3A_56 = arith.constant 1024 : i32
      "tpu.region"() ({
        %run_scoped3A = tpu.sem_alloc : memref<!tpu.dma_semaphore, #tpu.memory_space<semaphore_mem>>
        %dma_start3A = arith.constant 0 : i32
        %dma_start3A_58 = tpu.memref_slice %arg3[%add3A_13, %dma_start3A] : memref<184x16384xf32, #tpu.memory_space<hbm>> -> memref<1x16384xf32, #tpu.memory_space<hbm>>
        %dma_start3A_59 = tpu.memref_squeeze %dma_start3A_58 : memref<1x16384xf32, #tpu.memory_space<hbm>> -> memref<16384xf32, #tpu.memory_space<hbm>>
        %dma_start3A_60 = arith.constant 0 : i32
        %dma_start3A_61 = tpu.memref_slice %arg3[%add3A_13, %dma_start3A_60] : memref<184x16384xf32, #tpu.memory_space<hbm>> -> memref<1x16384xf32, #tpu.memory_space<hbm>>
        %dma_start3A_62 = tpu.memref_squeeze %dma_start3A_61 : memref<1x16384xf32, #tpu.memory_space<hbm>> -> memref<16384xf32, #tpu.memory_space<hbm>>
        tpu.enqueue_dma source(%arg5 : memref<16384xf32, #tpu.memory_space<vmem>>) target(%dma_start3A_62 : memref<16384xf32, #tpu.memory_space<hbm>>) target_semaphore(%run_scoped3A : memref<!tpu.dma_semaphore, #tpu.memory_space<semaphore_mem>>)
        %dma_wait3A = arith.constant 0 : i32
        %dma_wait3A_63 = tpu.memref_slice %arg3[%add3A_13, %dma_wait3A] : memref<184x16384xf32, #tpu.memory_space<hbm>> -> memref<1x16384xf32, #tpu.memory_space<hbm>>
        %dma_wait3A_64 = tpu.memref_squeeze %dma_wait3A_63 : memref<1x16384xf32, #tpu.memory_space<hbm>> -> memref<16384xf32, #tpu.memory_space<hbm>>
        %dma_wait3A_65 = arith.constant 0 : i32
        %dma_wait3A_66 = tpu.memref_slice %arg3[%add3A_13, %dma_wait3A_65] : memref<184x16384xf32, #tpu.memory_space<hbm>> -> memref<1x16384xf32, #tpu.memory_space<hbm>>
        %dma_wait3A_67 = tpu.memref_squeeze %dma_wait3A_66 : memref<1x16384xf32, #tpu.memory_space<hbm>> -> memref<16384xf32, #tpu.memory_space<hbm>>
        tpu.wait_dma2 semaphore(%run_scoped3A : memref<!tpu.dma_semaphore, #tpu.memory_space<semaphore_mem>>) src(%arg5 : memref<16384xf32, #tpu.memory_space<vmem>>) dst(%dma_wait3A_67 : memref<16384xf32, #tpu.memory_space<hbm>>)
        tpu.yield
      }) : () -> ()
      %scan3A_57 = arith.constant 0 : i32
      scf.yield %scan3A_57 : i32
    }
    %scan3A_6 = arith.constant 5 : i32
    %lt3A = arith.constant 24 : i32
    %lt3A_7 = arith.cmpi slt, %add3A, %lt3A : i32
    %convert_element_type3A = arith.extui %lt3A_7 : i1 to i32
    %cond3A = arith.constant 0 : i32
    %cond3A_8 = arith.cmpi ne, %convert_element_type3A, %cond3A : i32
    scf.if %cond3A_8 {
      %add3A_9 = arith.constant 160 : i32
      %add3A_10 = arith.addi %add3A, %add3A_9 : i32
      %jit3A = arith.constant 23 : i32
      %div3A = arith.divsi %add3A_10, %jit3A : i32
      %sign3A = arith.constant 0 : i32
      %sign3A_11 = arith.cmpi sgt, %add3A_10, %sign3A : i32
      %sign3A_12 = arith.extui %sign3A_11 : i1 to i32
      %sign3A_13 = arith.constant 0 : i32
      %sign3A_14 = arith.cmpi slt, %add3A_10, %sign3A_13 : i32
      %sign3A_15 = arith.extui %sign3A_14 : i1 to i32
      %sign3A_16 = arith.subi %sign3A_12, %sign3A_15 : i32
      %sign3A_17 = arith.constant 0 : i32
      %sign3A_18 = arith.cmpi sgt, %jit3A, %sign3A_17 : i32
      %sign3A_19 = arith.extui %sign3A_18 : i1 to i32
      %sign3A_20 = arith.constant 0 : i32
      %sign3A_21 = arith.cmpi slt, %jit3A, %sign3A_20 : i32
      %sign3A_22 = arith.extui %sign3A_21 : i1 to i32
      %sign3A_23 = arith.subi %sign3A_19, %sign3A_22 : i32
      %ne3A = arith.cmpi ne, %sign3A_16, %sign3A_23 : i32
      %rem3A = arith.remsi %add3A_10, %jit3A : i32
      %ne3A_24 = arith.constant 0 : i32
      %ne3A_25 = arith.cmpi ne, %rem3A, %ne3A_24 : i32
      %and3A = arith.andi %ne3A, %ne3A_25 : i1
      %sub3A = arith.constant 1 : i32
      %sub3A_26 = arith.subi %div3A, %sub3A : i32
      %select_n3A = arith.select %and3A, %sub3A_26, %div3A : i32
      %mul3A_27 = arith.constant 24 : i32
      %mul3A_28 = arith.muli %select_n3A, %mul3A_27 : i32
      %jit3A_29 = arith.constant 23 : i32
      %eq3A = arith.constant 0 : i32
      %eq3A_30 = arith.cmpi eq, %jit3A_29, %eq3A : i32
      %jit3A_31 = arith.constant 1 : i32
      %select_n3A_32 = arith.select %eq3A_30, %jit3A_31, %jit3A_29 : i32
      %rem3A_33 = arith.remsi %add3A_10, %select_n3A_32 : i32
      %ne3A_34 = arith.constant 0 : i32
      %ne3A_35 = arith.cmpi ne, %rem3A_33, %ne3A_34 : i32
      %lt3A_36 = arith.constant 0 : i32
      %lt3A_37 = arith.cmpi slt, %rem3A_33, %lt3A_36 : i32
      %lt3A_38 = arith.constant 0 : i32
      %lt3A_39 = arith.cmpi slt, %select_n3A_32, %lt3A_38 : i32
      %ne3A_40 = arith.xori %lt3A_37, %lt3A_39 : i1
      %and3A_41 = arith.andi %ne3A_40, %ne3A_35 : i1
      %add3A_42 = arith.addi %rem3A_33, %select_n3A_32 : i32
      %select_n3A_43 = arith.select %and3A_41, %add3A_42, %rem3A_33 : i32
      %add3A_44 = arith.addi %mul3A_28, %select_n3A_43 : i32
      %add3A_45 = arith.constant 1 : i32
      %add3A_46 = arith.addi %add3A_44, %add3A_45 : i32
      "tpu.region"() ({
        %run_scoped3A = tpu.sem_alloc : memref<!tpu.dma_semaphore, #tpu.memory_space<semaphore_mem>>
        %dma_start3A = arith.constant 0 : i32
        %dma_start3A_54 = tpu.memref_slice %arg2[%add3A_46, %dma_start3A] : memref<192x16384xi32, #tpu.memory_space<hbm>> -> memref<1x16384xi32, #tpu.memory_space<hbm>>
        %dma_start3A_55 = tpu.memref_squeeze %dma_start3A_54 : memref<1x16384xi32, #tpu.memory_space<hbm>> -> memref<16384xi32, #tpu.memory_space<hbm>>
        %dma_start3A_56 = arith.constant 0 : i32
        %dma_start3A_57 = tpu.memref_slice %arg2[%add3A_46, %dma_start3A_56] : memref<192x16384xi32, #tpu.memory_space<hbm>> -> memref<1x16384xi32, #tpu.memory_space<hbm>>
        %dma_start3A_58 = tpu.memref_squeeze %dma_start3A_57 : memref<1x16384xi32, #tpu.memory_space<hbm>> -> memref<16384xi32, #tpu.memory_space<hbm>>
        tpu.enqueue_dma source(%dma_start3A_58 : memref<16384xi32, #tpu.memory_space<hbm>>) target(%arg4 : memref<16384xi32, #tpu.memory_space<vmem>>) target_semaphore(%run_scoped3A : memref<!tpu.dma_semaphore, #tpu.memory_space<semaphore_mem>>)
        %dma_wait3A = arith.constant 0 : i32
        %dma_wait3A_59 = tpu.memref_slice %arg2[%add3A_46, %dma_wait3A] : memref<192x16384xi32, #tpu.memory_space<hbm>> -> memref<1x16384xi32, #tpu.memory_space<hbm>>
        %dma_wait3A_60 = tpu.memref_squeeze %dma_wait3A_59 : memref<1x16384xi32, #tpu.memory_space<hbm>> -> memref<16384xi32, #tpu.memory_space<hbm>>
        %dma_wait3A_61 = arith.constant 0 : i32
        %dma_wait3A_62 = tpu.memref_slice %arg2[%add3A_46, %dma_wait3A_61] : memref<192x16384xi32, #tpu.memory_space<hbm>> -> memref<1x16384xi32, #tpu.memory_space<hbm>>
        %dma_wait3A_63 = tpu.memref_squeeze %dma_wait3A_62 : memref<1x16384xi32, #tpu.memory_space<hbm>> -> memref<16384xi32, #tpu.memory_space<hbm>>
        tpu.wait_dma2 semaphore(%run_scoped3A : memref<!tpu.dma_semaphore, #tpu.memory_space<semaphore_mem>>) src(%dma_wait3A_63 : memref<16384xi32, #tpu.memory_space<hbm>>) dst(%arg4 : memref<16384xi32, #tpu.memory_space<vmem>>)
        tpu.yield
      }) : () -> ()
      %scan3A_47 = arith.constant 0 : i32
      %scan3A_48 = arith.constant 0 : i32
      %scan3A_49 = arith.constant 1024 : i32
      %scan3A_50 = arith.addi %scan3A_48, %scan3A_49 : i32
      %scan3A_51 = arith.constant 1 : i32
      %scan3A_52 = scf.for %scan3A_54 = %scan3A_48 to %scan3A_50 step %scan3A_51 iter_args(%scan3A_55 = %scan3A_47) -> (i32)  : i32 {
        %mul3A_56 = arith.constant 16 : i32
        %mul3A_57 = arith.muli %scan3A_54, %mul3A_56 : i32
        %get3A = arith.index_cast %mul3A_57 : i32 to index
        %get3A_58 = tpu.vector_load %arg4[%get3A] {strides = array<i32>} : memref<16384xi32, #tpu.memory_space<vmem>>, vector<16xi32>,
        %get3A_59 = vector.shape_cast %get3A_58 : vector<16xi32> to vector<16xi32>
        %gt3A = arith.constant 0 : i32
        %gt3A_60 = vector.broadcast %gt3A : i32 to vector<16xi32>
        %gt3A_61 = arith.cmpi sgt, %get3A_59, %gt3A_60 : vector<16xi32>
        %broadcast_in_dim3A = arith.constant 0.000000e+00 : f32
        %broadcast_in_dim3A_62 = vector.broadcast %broadcast_in_dim3A : f32 to vector<16xf32>
        %broadcast_in_dim3A_63 = arith.constant 0xFF800000 : f32
        %broadcast_in_dim3A_64 = vector.broadcast %broadcast_in_dim3A_63 : f32 to vector<16xf32>
        %select_n3A_65 = arith.select %gt3A_61, %broadcast_in_dim3A_62, %broadcast_in_dim3A_64 : vector<16xi1>, vector<16xf32>
        %mul3A_66 = arith.constant 16 : i32
        %mul3A_67 = arith.muli %scan3A_54, %mul3A_66 : i32
        %swap3A = arith.index_cast %mul3A_67 : i32 to index
        %swap3A_68 = tpu.vector_load %arg5[%swap3A] {strides = array<i32>} : memref<16384xf32, #tpu.memory_space<vmem>>, vector<16xf32>,
        %swap3A_69 = vector.shape_cast %swap3A_68 : vector<16xf32> to vector<16xf32>
        %swap3A_70 = vector.shape_cast %select_n3A_65 : vector<16xf32> to vector<16xf32>
        tpu.vector_store %arg5[%swap3A], %swap3A_70 {strides = array<i32>} : memref<16384xf32, #tpu.memory_space<vmem>>, vector<16xf32>,
        %scan3A_71 = arith.constant 0 : i32
        scf.yield %scan3A_71 : i32
      }
      %scan3A_53 = arith.constant 1024 : i32
      "tpu.region"() ({
        %run_scoped3A = tpu.sem_alloc : memref<!tpu.dma_semaphore, #tpu.memory_space<semaphore_mem>>
        %dma_start3A = arith.constant 0 : i32
        %dma_start3A_54 = tpu.memref_slice %arg3[%add3A_10, %dma_start3A] : memref<184x16384xf32, #tpu.memory_space<hbm>> -> memref<1x16384xf32, #tpu.memory_space<hbm>>
        %dma_start3A_55 = tpu.memref_squeeze %dma_start3A_54 : memref<1x16384xf32, #tpu.memory_space<hbm>> -> memref<16384xf32, #tpu.memory_space<hbm>>
        %dma_start3A_56 = arith.constant 0 : i32
        %dma_start3A_57 = tpu.memref_slice %arg3[%add3A_10, %dma_start3A_56] : memref<184x16384xf32, #tpu.memory_space<hbm>> -> memref<1x16384xf32, #tpu.memory_space<hbm>>
        %dma_start3A_58 = tpu.memref_squeeze %dma_start3A_57 : memref<1x16384xf32, #tpu.memory_space<hbm>> -> memref<16384xf32, #tpu.memory_space<hbm>>
        tpu.enqueue_dma source(%arg5 : memref<16384xf32, #tpu.memory_space<vmem>>) target(%dma_start3A_58 : memref<16384xf32, #tpu.memory_space<hbm>>) target_semaphore(%run_scoped3A : memref<!tpu.dma_semaphore, #tpu.memory_space<semaphore_mem>>)
        %dma_wait3A = arith.constant 0 : i32
        %dma_wait3A_59 = tpu.memref_slice %arg3[%add3A_10, %dma_wait3A] : memref<184x16384xf32, #tpu.memory_space<hbm>> -> memref<1x16384xf32, #tpu.memory_space<hbm>>
        %dma_wait3A_60 = tpu.memref_squeeze %dma_wait3A_59 : memref<1x16384xf32, #tpu.memory_space<hbm>> -> memref<16384xf32, #tpu.memory_space<hbm>>
        %dma_wait3A_61 = arith.constant 0 : i32
        %dma_wait3A_62 = tpu.memref_slice %arg3[%add3A_10, %dma_wait3A_61] : memref<184x16384xf32, #tpu.memory_space<hbm>> -> memref<1x16384xf32, #tpu.memory_space<hbm>>
        %dma_wait3A_63 = tpu.memref_squeeze %dma_wait3A_62 : memref<1x16384xf32, #tpu.memory_space<hbm>> -> memref<16384xf32, #tpu.memory_space<hbm>>
        tpu.wait_dma2 semaphore(%run_scoped3A : memref<!tpu.dma_semaphore, #tpu.memory_space<semaphore_mem>>) src(%arg5 : memref<16384xf32, #tpu.memory_space<vmem>>) dst(%dma_wait3A_63 : memref<16384xf32, #tpu.memory_space<hbm>>)
        tpu.yield
      }) : () -> ()
    } else {
    }
    return
  }
}

module attributes {stable_mosaic.version = 14 : i64} {
  func.func @_tc_body(%arg0: i32, %arg1: i32, %arg2: memref<1x128x1024xf32, #tpu.memory_space<vmem>>, %arg3: memref<1x23x1024xf32, #tpu.memory_space<vmem>>, %arg4: memref<1x23x128xf32, #tpu.memory_space<vmem>>, %arg5: memref<23x128x128xbf16, #tpu.memory_space<vmem>>) attributes {dimension_semantics = [#tpu.dimension_semantics<arbitrary>, #tpu.dimension_semantics<arbitrary>], iteration_bounds = array<i64: 8, 16>, scalar_prefetch = 0 : i64, scratch_operands = 1 : i64, tpu.core_type = #tpu.core_type<tc>, window_params = [{transform_indices = @transform_0, window_bounds = array<i64: 1, 128, 1024>}, {transform_indices = @transform_1, window_bounds = array<i64: 1, 23, 1024>}, {transform_indices = @transform_2, window_bounds = array<i64: 1, 23, 128>}]} {
    %eq3A = arith.constant 0 : i32
    %eq3A_0 = arith.cmpi eq, %arg1, %eq3A : i32
    %convert_element_type3A = arith.extui %eq3A_0 : i1 to i32
    %cond3A = arith.constant 0 : i32
    %cond3A_1 = arith.cmpi ne, %convert_element_type3A, %cond3A : i32
    scf.if %cond3A_1 {
      %broadcast_in_dim3A_633 = arith.constant 0xFF80 : bf16
      %broadcast_in_dim3A_634 = vector.broadcast %broadcast_in_dim3A_633 : bf16 to vector<23x128x128xbf16>
      %swap3A_635 = arith.constant 0 : index
      %swap3A_636 = arith.constant 0 : index
      %swap3A_637 = arith.constant 0 : index
      %swap3A_638 = vector.load %arg5[%swap3A_635, %swap3A_636, %swap3A_637] : memref<23x128x128xbf16, #tpu.memory_space<vmem>>, vector<23x128x128xbf16>
      tpu.vector_store %arg5[%swap3A_635, %swap3A_636, %swap3A_637], %broadcast_in_dim3A_634 {strides = array<i32>} : memref<23x128x128xbf16, #tpu.memory_space<vmem>>, vector<23x128x128xbf16>,
    } else {
    }
    %get3A = arith.constant 0 : index
    %get3A_2 = arith.constant 0 : index
    %get3A_3 = arith.constant 0 : index
    %get3A_4 = vector.load %arg2[%get3A, %get3A_2, %get3A_3] : memref<1x128x1024xf32, #tpu.memory_space<vmem>>, vector<1x128x1024xf32>
    %get3A_5 = vector.shape_cast %get3A_4 : vector<1x128x1024xf32> to vector<128x1024xf32>
    %convert_element_type3A_6 = arith.truncf %get3A_5 : vector<128x1024xf32> to vector<128x1024xbf16>
    %get3A_7 = arith.constant 0 : index
    %get3A_8 = arith.constant 0 : index
    %get3A_9 = arith.constant 0 : index
    %get3A_10 = vector.load %arg3[%get3A_7, %get3A_8, %get3A_9] : memref<1x23x1024xf32, #tpu.memory_space<vmem>>, vector<1x23x1024xf32>
    %get3A_11 = vector.shape_cast %get3A_10 : vector<1x23x1024xf32> to vector<23x1024xf32>
    %convert_element_type3A_12 = arith.truncf %get3A_11 : vector<23x1024xf32> to vector<23x1024xbf16>
    %slice3A = vector.extract_strided_slice %convert_element_type3A_12 {offsets = [0, 0], sizes = [1, 1024], strides = [1, 1]} : vector<23x1024xbf16> to vector<1x1024xbf16>
    %squeeze3A = vector.shape_cast %slice3A : vector<1x1024xbf16> to vector<1024xbf16>
    %broadcast_in_dim3A = vector.shape_cast %squeeze3A : vector<1024xbf16> to vector<1x1024xbf16>
    %broadcast_in_dim3A_13 = vector.shape_cast %broadcast_in_dim3A : vector<1x1024xbf16> to vector<1x1024xbf16>
    %broadcast_in_dim3A_14 = vector.broadcast %broadcast_in_dim3A_13 : vector<1x1024xbf16> to vector<128x1024xbf16>
    %add3A = arith.addf %convert_element_type3A_6, %broadcast_in_dim3A_14 : vector<128x1024xbf16>
    %slice3A_15 = vector.extract_strided_slice %add3A {offsets = [0, 0], sizes = [128, 512], strides = [1, 1]} : vector<128x1024xbf16> to vector<128x512xbf16>
    %slice3A_16 = vector.extract_strided_slice %add3A {offsets = [0, 512], sizes = [128, 512], strides = [1, 1]} : vector<128x1024xbf16> to vector<128x512xbf16>
    %max3A = arith.maximumf %slice3A_15, %slice3A_16 : vector<128x512xbf16>
    %slice3A_17 = vector.extract_strided_slice %max3A {offsets = [0, 0], sizes = [128, 256], strides = [1, 1]} : vector<128x512xbf16> to vector<128x256xbf16>
    %slice3A_18 = vector.extract_strided_slice %max3A {offsets = [0, 256], sizes = [128, 256], strides = [1, 1]} : vector<128x512xbf16> to vector<128x256xbf16>
    %max3A_19 = arith.maximumf %slice3A_17, %slice3A_18 : vector<128x256xbf16>
    %slice3A_20 = vector.extract_strided_slice %max3A_19 {offsets = [0, 0], sizes = [128, 128], strides = [1, 1]} : vector<128x256xbf16> to vector<128x128xbf16>
    %slice3A_21 = vector.extract_strided_slice %max3A_19 {offsets = [0, 128], sizes = [128, 128], strides = [1, 1]} : vector<128x256xbf16> to vector<128x128xbf16>
    %max3A_22 = arith.maximumf %slice3A_20, %slice3A_21 : vector<128x128xbf16>
    %get3A_23 = arith.constant 0 : index
    %get3A_24 = arith.constant 0 : index
    %get3A_25 = arith.constant 0 : index
    %get3A_26 = vector.load %arg5[%get3A_23, %get3A_24, %get3A_25] : memref<23x128x128xbf16, #tpu.memory_space<vmem>>, vector<1x128x128xbf16>
    %get3A_27 = vector.shape_cast %get3A_26 : vector<1x128x128xbf16> to vector<128x128xbf16>
    %max3A_28 = arith.maximumf %get3A_27, %max3A_22 : vector<128x128xbf16>
    %swap3A = arith.constant 0 : index
    %swap3A_29 = arith.constant 0 : index
    %swap3A_30 = arith.constant 0 : index
    %swap3A_31 = vector.load %arg5[%swap3A, %swap3A_29, %swap3A_30] : memref<23x128x128xbf16, #tpu.memory_space<vmem>>, vector<1x128x128xbf16>
    %swap3A_32 = vector.shape_cast %swap3A_31 : vector<1x128x128xbf16> to vector<128x128xbf16>
    %swap3A_33 = vector.shape_cast %max3A_28 : vector<128x128xbf16> to vector<1x128x128xbf16>
    tpu.vector_store %arg5[%swap3A, %swap3A_29, %swap3A_30], %swap3A_33 {strides = array<i32>} : memref<23x128x128xbf16, #tpu.memory_space<vmem>>, vector<1x128x128xbf16>,
    %slice3A_34 = vector.extract_strided_slice %convert_element_type3A_12 {offsets = [1, 0], sizes = [1, 1024], strides = [1, 1]} : vector<23x1024xbf16> to vector<1x1024xbf16>
    %squeeze3A_35 = vector.shape_cast %slice3A_34 : vector<1x1024xbf16> to vector<1024xbf16>
    %broadcast_in_dim3A_36 = vector.shape_cast %squeeze3A_35 : vector<1024xbf16> to vector<1x1024xbf16>
    %broadcast_in_dim3A_37 = vector.shape_cast %broadcast_in_dim3A_36 : vector<1x1024xbf16> to vector<1x1024xbf16>
    %broadcast_in_dim3A_38 = vector.broadcast %broadcast_in_dim3A_37 : vector<1x1024xbf16> to vector<128x1024xbf16>
    %add3A_39 = arith.addf %convert_element_type3A_6, %broadcast_in_dim3A_38 : vector<128x1024xbf16>
    %slice3A_40 = vector.extract_strided_slice %add3A_39 {offsets = [0, 0], sizes = [128, 512], strides = [1, 1]} : vector<128x1024xbf16> to vector<128x512xbf16>
    %slice3A_41 = vector.extract_strided_slice %add3A_39 {offsets = [0, 512], sizes = [128, 512], strides = [1, 1]} : vector<128x1024xbf16> to vector<128x512xbf16>
    %max3A_42 = arith.maximumf %slice3A_40, %slice3A_41 : vector<128x512xbf16>
    %slice3A_43 = vector.extract_strided_slice %max3A_42 {offsets = [0, 0], sizes = [128, 256], strides = [1, 1]} : vector<128x512xbf16> to vector<128x256xbf16>
    %slice3A_44 = vector.extract_strided_slice %max3A_42 {offsets = [0, 256], sizes = [128, 256], strides = [1, 1]} : vector<128x512xbf16> to vector<128x256xbf16>
    %max3A_45 = arith.maximumf %slice3A_43, %slice3A_44 : vector<128x256xbf16>
    %slice3A_46 = vector.extract_strided_slice %max3A_45 {offsets = [0, 0], sizes = [128, 128], strides = [1, 1]} : vector<128x256xbf16> to vector<128x128xbf16>
    %slice3A_47 = vector.extract_strided_slice %max3A_45 {offsets = [0, 128], sizes = [128, 128], strides = [1, 1]} : vector<128x256xbf16> to vector<128x128xbf16>
    %max3A_48 = arith.maximumf %slice3A_46, %slice3A_47 : vector<128x128xbf16>
    %get3A_49 = arith.constant 1 : index
    %get3A_50 = arith.constant 0 : index
    %get3A_51 = arith.constant 0 : index
    %get3A_52 = vector.load %arg5[%get3A_49, %get3A_50, %get3A_51] : memref<23x128x128xbf16, #tpu.memory_space<vmem>>, vector<1x128x128xbf16>
    %get3A_53 = vector.shape_cast %get3A_52 : vector<1x128x128xbf16> to vector<128x128xbf16>
    %max3A_54 = arith.maximumf %get3A_53, %max3A_48 : vector<128x128xbf16>
    %swap3A_55 = arith.constant 1 : index
    %swap3A_56 = arith.constant 0 : index
    %swap3A_57 = arith.constant 0 : index
    %swap3A_58 = vector.load %arg5[%swap3A_55, %swap3A_56, %swap3A_57] : memref<23x128x128xbf16, #tpu.memory_space<vmem>>, vector<1x128x128xbf16>
    %swap3A_59 = vector.shape_cast %swap3A_58 : vector<1x128x128xbf16> to vector<128x128xbf16>
    %swap3A_60 = vector.shape_cast %max3A_54 : vector<128x128xbf16> to vector<1x128x128xbf16>
    tpu.vector_store %arg5[%swap3A_55, %swap3A_56, %swap3A_57], %swap3A_60 {strides = array<i32>} : memref<23x128x128xbf16, #tpu.memory_space<vmem>>, vector<1x128x128xbf16>,
    %slice3A_61 = vector.extract_strided_slice %convert_element_type3A_12 {offsets = [2, 0], sizes = [1, 1024], strides = [1, 1]} : vector<23x1024xbf16> to vector<1x1024xbf16>
    %squeeze3A_62 = vector.shape_cast %slice3A_61 : vector<1x1024xbf16> to vector<1024xbf16>
    %broadcast_in_dim3A_63 = vector.shape_cast %squeeze3A_62 : vector<1024xbf16> to vector<1x1024xbf16>
    %broadcast_in_dim3A_64 = vector.shape_cast %broadcast_in_dim3A_63 : vector<1x1024xbf16> to vector<1x1024xbf16>
    %broadcast_in_dim3A_65 = vector.broadcast %broadcast_in_dim3A_64 : vector<1x1024xbf16> to vector<128x1024xbf16>
    %add3A_66 = arith.addf %convert_element_type3A_6, %broadcast_in_dim3A_65 : vector<128x1024xbf16>
    %slice3A_67 = vector.extract_strided_slice %add3A_66 {offsets = [0, 0], sizes = [128, 512], strides = [1, 1]} : vector<128x1024xbf16> to vector<128x512xbf16>
    %slice3A_68 = vector.extract_strided_slice %add3A_66 {offsets = [0, 512], sizes = [128, 512], strides = [1, 1]} : vector<128x1024xbf16> to vector<128x512xbf16>
    %max3A_69 = arith.maximumf %slice3A_67, %slice3A_68 : vector<128x512xbf16>
    %slice3A_70 = vector.extract_strided_slice %max3A_69 {offsets = [0, 0], sizes = [128, 256], strides = [1, 1]} : vector<128x512xbf16> to vector<128x256xbf16>
    %slice3A_71 = vector.extract_strided_slice %max3A_69 {offsets = [0, 256], sizes = [128, 256], strides = [1, 1]} : vector<128x512xbf16> to vector<128x256xbf16>
    %max3A_72 = arith.maximumf %slice3A_70, %slice3A_71 : vector<128x256xbf16>
    %slice3A_73 = vector.extract_strided_slice %max3A_72 {offsets = [0, 0], sizes = [128, 128], strides = [1, 1]} : vector<128x256xbf16> to vector<128x128xbf16>
    %slice3A_74 = vector.extract_strided_slice %max3A_72 {offsets = [0, 128], sizes = [128, 128], strides = [1, 1]} : vector<128x256xbf16> to vector<128x128xbf16>
    %max3A_75 = arith.maximumf %slice3A_73, %slice3A_74 : vector<128x128xbf16>
    %get3A_76 = arith.constant 2 : index
    %get3A_77 = arith.constant 0 : index
    %get3A_78 = arith.constant 0 : index
    %get3A_79 = vector.load %arg5[%get3A_76, %get3A_77, %get3A_78] : memref<23x128x128xbf16, #tpu.memory_space<vmem>>, vector<1x128x128xbf16>
    %get3A_80 = vector.shape_cast %get3A_79 : vector<1x128x128xbf16> to vector<128x128xbf16>
    %max3A_81 = arith.maximumf %get3A_80, %max3A_75 : vector<128x128xbf16>
    %swap3A_82 = arith.constant 2 : index
    %swap3A_83 = arith.constant 0 : index
    %swap3A_84 = arith.constant 0 : index
    %swap3A_85 = vector.load %arg5[%swap3A_82, %swap3A_83, %swap3A_84] : memref<23x128x128xbf16, #tpu.memory_space<vmem>>, vector<1x128x128xbf16>
    %swap3A_86 = vector.shape_cast %swap3A_85 : vector<1x128x128xbf16> to vector<128x128xbf16>
    %swap3A_87 = vector.shape_cast %max3A_81 : vector<128x128xbf16> to vector<1x128x128xbf16>
    tpu.vector_store %arg5[%swap3A_82, %swap3A_83, %swap3A_84], %swap3A_87 {strides = array<i32>} : memref<23x128x128xbf16, #tpu.memory_space<vmem>>, vector<1x128x128xbf16>,
    %slice3A_88 = vector.extract_strided_slice %convert_element_type3A_12 {offsets = [3, 0], sizes = [1, 1024], strides = [1, 1]} : vector<23x1024xbf16> to vector<1x1024xbf16>
    %squeeze3A_89 = vector.shape_cast %slice3A_88 : vector<1x1024xbf16> to vector<1024xbf16>
    %broadcast_in_dim3A_90 = vector.shape_cast %squeeze3A_89 : vector<1024xbf16> to vector<1x1024xbf16>
    %broadcast_in_dim3A_91 = vector.shape_cast %broadcast_in_dim3A_90 : vector<1x1024xbf16> to vector<1x1024xbf16>
    %broadcast_in_dim3A_92 = vector.broadcast %broadcast_in_dim3A_91 : vector<1x1024xbf16> to vector<128x1024xbf16>
    %add3A_93 = arith.addf %convert_element_type3A_6, %broadcast_in_dim3A_92 : vector<128x1024xbf16>
    %slice3A_94 = vector.extract_strided_slice %add3A_93 {offsets = [0, 0], sizes = [128, 512], strides = [1, 1]} : vector<128x1024xbf16> to vector<128x512xbf16>
    %slice3A_95 = vector.extract_strided_slice %add3A_93 {offsets = [0, 512], sizes = [128, 512], strides = [1, 1]} : vector<128x1024xbf16> to vector<128x512xbf16>
    %max3A_96 = arith.maximumf %slice3A_94, %slice3A_95 : vector<128x512xbf16>
    %slice3A_97 = vector.extract_strided_slice %max3A_96 {offsets = [0, 0], sizes = [128, 256], strides = [1, 1]} : vector<128x512xbf16> to vector<128x256xbf16>
    %slice3A_98 = vector.extract_strided_slice %max3A_96 {offsets = [0, 256], sizes = [128, 256], strides = [1, 1]} : vector<128x512xbf16> to vector<128x256xbf16>
    %max3A_99 = arith.maximumf %slice3A_97, %slice3A_98 : vector<128x256xbf16>
    %slice3A_100 = vector.extract_strided_slice %max3A_99 {offsets = [0, 0], sizes = [128, 128], strides = [1, 1]} : vector<128x256xbf16> to vector<128x128xbf16>
    %slice3A_101 = vector.extract_strided_slice %max3A_99 {offsets = [0, 128], sizes = [128, 128], strides = [1, 1]} : vector<128x256xbf16> to vector<128x128xbf16>
    %max3A_102 = arith.maximumf %slice3A_100, %slice3A_101 : vector<128x128xbf16>
    %get3A_103 = arith.constant 3 : index
    %get3A_104 = arith.constant 0 : index
    %get3A_105 = arith.constant 0 : index
    %get3A_106 = vector.load %arg5[%get3A_103, %get3A_104, %get3A_105] : memref<23x128x128xbf16, #tpu.memory_space<vmem>>, vector<1x128x128xbf16>
    %get3A_107 = vector.shape_cast %get3A_106 : vector<1x128x128xbf16> to vector<128x128xbf16>
    %max3A_108 = arith.maximumf %get3A_107, %max3A_102 : vector<128x128xbf16>
    %swap3A_109 = arith.constant 3 : index
    %swap3A_110 = arith.constant 0 : index
    %swap3A_111 = arith.constant 0 : index
    %swap3A_112 = vector.load %arg5[%swap3A_109, %swap3A_110, %swap3A_111] : memref<23x128x128xbf16, #tpu.memory_space<vmem>>, vector<1x128x128xbf16>
    %swap3A_113 = vector.shape_cast %swap3A_112 : vector<1x128x128xbf16> to vector<128x128xbf16>
    %swap3A_114 = vector.shape_cast %max3A_108 : vector<128x128xbf16> to vector<1x128x128xbf16>
    tpu.vector_store %arg5[%swap3A_109, %swap3A_110, %swap3A_111], %swap3A_114 {strides = array<i32>} : memref<23x128x128xbf16, #tpu.memory_space<vmem>>, vector<1x128x128xbf16>,
    %slice3A_115 = vector.extract_strided_slice %convert_element_type3A_12 {offsets = [4, 0], sizes = [1, 1024], strides = [1, 1]} : vector<23x1024xbf16> to vector<1x1024xbf16>
    %squeeze3A_116 = vector.shape_cast %slice3A_115 : vector<1x1024xbf16> to vector<1024xbf16>
    %broadcast_in_dim3A_117 = vector.shape_cast %squeeze3A_116 : vector<1024xbf16> to vector<1x1024xbf16>
    %broadcast_in_dim3A_118 = vector.shape_cast %broadcast_in_dim3A_117 : vector<1x1024xbf16> to vector<1x1024xbf16>
    %broadcast_in_dim3A_119 = vector.broadcast %broadcast_in_dim3A_118 : vector<1x1024xbf16> to vector<128x1024xbf16>
    %add3A_120 = arith.addf %convert_element_type3A_6, %broadcast_in_dim3A_119 : vector<128x1024xbf16>
    %slice3A_121 = vector.extract_strided_slice %add3A_120 {offsets = [0, 0], sizes = [128, 512], strides = [1, 1]} : vector<128x1024xbf16> to vector<128x512xbf16>
    %slice3A_122 = vector.extract_strided_slice %add3A_120 {offsets = [0, 512], sizes = [128, 512], strides = [1, 1]} : vector<128x1024xbf16> to vector<128x512xbf16>
    %max3A_123 = arith.maximumf %slice3A_121, %slice3A_122 : vector<128x512xbf16>
    %slice3A_124 = vector.extract_strided_slice %max3A_123 {offsets = [0, 0], sizes = [128, 256], strides = [1, 1]} : vector<128x512xbf16> to vector<128x256xbf16>
    %slice3A_125 = vector.extract_strided_slice %max3A_123 {offsets = [0, 256], sizes = [128, 256], strides = [1, 1]} : vector<128x512xbf16> to vector<128x256xbf16>
    %max3A_126 = arith.maximumf %slice3A_124, %slice3A_125 : vector<128x256xbf16>
    %slice3A_127 = vector.extract_strided_slice %max3A_126 {offsets = [0, 0], sizes = [128, 128], strides = [1, 1]} : vector<128x256xbf16> to vector<128x128xbf16>
    %slice3A_128 = vector.extract_strided_slice %max3A_126 {offsets = [0, 128], sizes = [128, 128], strides = [1, 1]} : vector<128x256xbf16> to vector<128x128xbf16>
    %max3A_129 = arith.maximumf %slice3A_127, %slice3A_128 : vector<128x128xbf16>
    %get3A_130 = arith.constant 4 : index
    %get3A_131 = arith.constant 0 : index
    %get3A_132 = arith.constant 0 : index
    %get3A_133 = vector.load %arg5[%get3A_130, %get3A_131, %get3A_132] : memref<23x128x128xbf16, #tpu.memory_space<vmem>>, vector<1x128x128xbf16>
    %get3A_134 = vector.shape_cast %get3A_133 : vector<1x128x128xbf16> to vector<128x128xbf16>
    %max3A_135 = arith.maximumf %get3A_134, %max3A_129 : vector<128x128xbf16>
    %swap3A_136 = arith.constant 4 : index
    %swap3A_137 = arith.constant 0 : index
    %swap3A_138 = arith.constant 0 : index
    %swap3A_139 = vector.load %arg5[%swap3A_136, %swap3A_137, %swap3A_138] : memref<23x128x128xbf16, #tpu.memory_space<vmem>>, vector<1x128x128xbf16>
    %swap3A_140 = vector.shape_cast %swap3A_139 : vector<1x128x128xbf16> to vector<128x128xbf16>
    %swap3A_141 = vector.shape_cast %max3A_135 : vector<128x128xbf16> to vector<1x128x128xbf16>
    tpu.vector_store %arg5[%swap3A_136, %swap3A_137, %swap3A_138], %swap3A_141 {strides = array<i32>} : memref<23x128x128xbf16, #tpu.memory_space<vmem>>, vector<1x128x128xbf16>,
    %slice3A_142 = vector.extract_strided_slice %convert_element_type3A_12 {offsets = [5, 0], sizes = [1, 1024], strides = [1, 1]} : vector<23x1024xbf16> to vector<1x1024xbf16>
    %squeeze3A_143 = vector.shape_cast %slice3A_142 : vector<1x1024xbf16> to vector<1024xbf16>
    %broadcast_in_dim3A_144 = vector.shape_cast %squeeze3A_143 : vector<1024xbf16> to vector<1x1024xbf16>
    %broadcast_in_dim3A_145 = vector.shape_cast %broadcast_in_dim3A_144 : vector<1x1024xbf16> to vector<1x1024xbf16>
    %broadcast_in_dim3A_146 = vector.broadcast %broadcast_in_dim3A_145 : vector<1x1024xbf16> to vector<128x1024xbf16>
    %add3A_147 = arith.addf %convert_element_type3A_6, %broadcast_in_dim3A_146 : vector<128x1024xbf16>
    %slice3A_148 = vector.extract_strided_slice %add3A_147 {offsets = [0, 0], sizes = [128, 512], strides = [1, 1]} : vector<128x1024xbf16> to vector<128x512xbf16>
    %slice3A_149 = vector.extract_strided_slice %add3A_147 {offsets = [0, 512], sizes = [128, 512], strides = [1, 1]} : vector<128x1024xbf16> to vector<128x512xbf16>
    %max3A_150 = arith.maximumf %slice3A_148, %slice3A_149 : vector<128x512xbf16>
    %slice3A_151 = vector.extract_strided_slice %max3A_150 {offsets = [0, 0], sizes = [128, 256], strides = [1, 1]} : vector<128x512xbf16> to vector<128x256xbf16>
    %slice3A_152 = vector.extract_strided_slice %max3A_150 {offsets = [0, 256], sizes = [128, 256], strides = [1, 1]} : vector<128x512xbf16> to vector<128x256xbf16>
    %max3A_153 = arith.maximumf %slice3A_151, %slice3A_152 : vector<128x256xbf16>
    %slice3A_154 = vector.extract_strided_slice %max3A_153 {offsets = [0, 0], sizes = [128, 128], strides = [1, 1]} : vector<128x256xbf16> to vector<128x128xbf16>
    %slice3A_155 = vector.extract_strided_slice %max3A_153 {offsets = [0, 128], sizes = [128, 128], strides = [1, 1]} : vector<128x256xbf16> to vector<128x128xbf16>
    %max3A_156 = arith.maximumf %slice3A_154, %slice3A_155 : vector<128x128xbf16>
    %get3A_157 = arith.constant 5 : index
    %get3A_158 = arith.constant 0 : index
    %get3A_159 = arith.constant 0 : index
    %get3A_160 = vector.load %arg5[%get3A_157, %get3A_158, %get3A_159] : memref<23x128x128xbf16, #tpu.memory_space<vmem>>, vector<1x128x128xbf16>
    %get3A_161 = vector.shape_cast %get3A_160 : vector<1x128x128xbf16> to vector<128x128xbf16>
    %max3A_162 = arith.maximumf %get3A_161, %max3A_156 : vector<128x128xbf16>
    %swap3A_163 = arith.constant 5 : index
    %swap3A_164 = arith.constant 0 : index
    %swap3A_165 = arith.constant 0 : index
    %swap3A_166 = vector.load %arg5[%swap3A_163, %swap3A_164, %swap3A_165] : memref<23x128x128xbf16, #tpu.memory_space<vmem>>, vector<1x128x128xbf16>
    %swap3A_167 = vector.shape_cast %swap3A_166 : vector<1x128x128xbf16> to vector<128x128xbf16>
    %swap3A_168 = vector.shape_cast %max3A_162 : vector<128x128xbf16> to vector<1x128x128xbf16>
    tpu.vector_store %arg5[%swap3A_163, %swap3A_164, %swap3A_165], %swap3A_168 {strides = array<i32>} : memref<23x128x128xbf16, #tpu.memory_space<vmem>>, vector<1x128x128xbf16>,
    %slice3A_169 = vector.extract_strided_slice %convert_element_type3A_12 {offsets = [6, 0], sizes = [1, 1024], strides = [1, 1]} : vector<23x1024xbf16> to vector<1x1024xbf16>
    %squeeze3A_170 = vector.shape_cast %slice3A_169 : vector<1x1024xbf16> to vector<1024xbf16>
    %broadcast_in_dim3A_171 = vector.shape_cast %squeeze3A_170 : vector<1024xbf16> to vector<1x1024xbf16>
    %broadcast_in_dim3A_172 = vector.shape_cast %broadcast_in_dim3A_171 : vector<1x1024xbf16> to vector<1x1024xbf16>
    %broadcast_in_dim3A_173 = vector.broadcast %broadcast_in_dim3A_172 : vector<1x1024xbf16> to vector<128x1024xbf16>
    %add3A_174 = arith.addf %convert_element_type3A_6, %broadcast_in_dim3A_173 : vector<128x1024xbf16>
    %slice3A_175 = vector.extract_strided_slice %add3A_174 {offsets = [0, 0], sizes = [128, 512], strides = [1, 1]} : vector<128x1024xbf16> to vector<128x512xbf16>
    %slice3A_176 = vector.extract_strided_slice %add3A_174 {offsets = [0, 512], sizes = [128, 512], strides = [1, 1]} : vector<128x1024xbf16> to vector<128x512xbf16>
    %max3A_177 = arith.maximumf %slice3A_175, %slice3A_176 : vector<128x512xbf16>
    %slice3A_178 = vector.extract_strided_slice %max3A_177 {offsets = [0, 0], sizes = [128, 256], strides = [1, 1]} : vector<128x512xbf16> to vector<128x256xbf16>
    %slice3A_179 = vector.extract_strided_slice %max3A_177 {offsets = [0, 256], sizes = [128, 256], strides = [1, 1]} : vector<128x512xbf16> to vector<128x256xbf16>
    %max3A_180 = arith.maximumf %slice3A_178, %slice3A_179 : vector<128x256xbf16>
    %slice3A_181 = vector.extract_strided_slice %max3A_180 {offsets = [0, 0], sizes = [128, 128], strides = [1, 1]} : vector<128x256xbf16> to vector<128x128xbf16>
    %slice3A_182 = vector.extract_strided_slice %max3A_180 {offsets = [0, 128], sizes = [128, 128], strides = [1, 1]} : vector<128x256xbf16> to vector<128x128xbf16>
    %max3A_183 = arith.maximumf %slice3A_181, %slice3A_182 : vector<128x128xbf16>
    %get3A_184 = arith.constant 6 : index
    %get3A_185 = arith.constant 0 : index
    %get3A_186 = arith.constant 0 : index
    %get3A_187 = vector.load %arg5[%get3A_184, %get3A_185, %get3A_186] : memref<23x128x128xbf16, #tpu.memory_space<vmem>>, vector<1x128x128xbf16>
    %get3A_188 = vector.shape_cast %get3A_187 : vector<1x128x128xbf16> to vector<128x128xbf16>
    %max3A_189 = arith.maximumf %get3A_188, %max3A_183 : vector<128x128xbf16>
    %swap3A_190 = arith.constant 6 : index
    %swap3A_191 = arith.constant 0 : index
    %swap3A_192 = arith.constant 0 : index
    %swap3A_193 = vector.load %arg5[%swap3A_190, %swap3A_191, %swap3A_192] : memref<23x128x128xbf16, #tpu.memory_space<vmem>>, vector<1x128x128xbf16>
    %swap3A_194 = vector.shape_cast %swap3A_193 : vector<1x128x128xbf16> to vector<128x128xbf16>
    %swap3A_195 = vector.shape_cast %max3A_189 : vector<128x128xbf16> to vector<1x128x128xbf16>
    tpu.vector_store %arg5[%swap3A_190, %swap3A_191, %swap3A_192], %swap3A_195 {strides = array<i32>} : memref<23x128x128xbf16, #tpu.memory_space<vmem>>, vector<1x128x128xbf16>,
    %slice3A_196 = vector.extract_strided_slice %convert_element_type3A_12 {offsets = [7, 0], sizes = [1, 1024], strides = [1, 1]} : vector<23x1024xbf16> to vector<1x1024xbf16>
    %squeeze3A_197 = vector.shape_cast %slice3A_196 : vector<1x1024xbf16> to vector<1024xbf16>
    %broadcast_in_dim3A_198 = vector.shape_cast %squeeze3A_197 : vector<1024xbf16> to vector<1x1024xbf16>
    %broadcast_in_dim3A_199 = vector.shape_cast %broadcast_in_dim3A_198 : vector<1x1024xbf16> to vector<1x1024xbf16>
    %broadcast_in_dim3A_200 = vector.broadcast %broadcast_in_dim3A_199 : vector<1x1024xbf16> to vector<128x1024xbf16>
    %add3A_201 = arith.addf %convert_element_type3A_6, %broadcast_in_dim3A_200 : vector<128x1024xbf16>
    %slice3A_202 = vector.extract_strided_slice %add3A_201 {offsets = [0, 0], sizes = [128, 512], strides = [1, 1]} : vector<128x1024xbf16> to vector<128x512xbf16>
    %slice3A_203 = vector.extract_strided_slice %add3A_201 {offsets = [0, 512], sizes = [128, 512], strides = [1, 1]} : vector<128x1024xbf16> to vector<128x512xbf16>
    %max3A_204 = arith.maximumf %slice3A_202, %slice3A_203 : vector<128x512xbf16>
    %slice3A_205 = vector.extract_strided_slice %max3A_204 {offsets = [0, 0], sizes = [128, 256], strides = [1, 1]} : vector<128x512xbf16> to vector<128x256xbf16>
    %slice3A_206 = vector.extract_strided_slice %max3A_204 {offsets = [0, 256], sizes = [128, 256], strides = [1, 1]} : vector<128x512xbf16> to vector<128x256xbf16>
    %max3A_207 = arith.maximumf %slice3A_205, %slice3A_206 : vector<128x256xbf16>
    %slice3A_208 = vector.extract_strided_slice %max3A_207 {offsets = [0, 0], sizes = [128, 128], strides = [1, 1]} : vector<128x256xbf16> to vector<128x128xbf16>
    %slice3A_209 = vector.extract_strided_slice %max3A_207 {offsets = [0, 128], sizes = [128, 128], strides = [1, 1]} : vector<128x256xbf16> to vector<128x128xbf16>
    %max3A_210 = arith.maximumf %slice3A_208, %slice3A_209 : vector<128x128xbf16>
    %get3A_211 = arith.constant 7 : index
    %get3A_212 = arith.constant 0 : index
    %get3A_213 = arith.constant 0 : index
    %get3A_214 = vector.load %arg5[%get3A_211, %get3A_212, %get3A_213] : memref<23x128x128xbf16, #tpu.memory_space<vmem>>, vector<1x128x128xbf16>
    %get3A_215 = vector.shape_cast %get3A_214 : vector<1x128x128xbf16> to vector<128x128xbf16>
    %max3A_216 = arith.maximumf %get3A_215, %max3A_210 : vector<128x128xbf16>
    %swap3A_217 = arith.constant 7 : index
    %swap3A_218 = arith.constant 0 : index
    %swap3A_219 = arith.constant 0 : index
    %swap3A_220 = vector.load %arg5[%swap3A_217, %swap3A_218, %swap3A_219] : memref<23x128x128xbf16, #tpu.memory_space<vmem>>, vector<1x128x128xbf16>
    %swap3A_221 = vector.shape_cast %swap3A_220 : vector<1x128x128xbf16> to vector<128x128xbf16>
    %swap3A_222 = vector.shape_cast %max3A_216 : vector<128x128xbf16> to vector<1x128x128xbf16>
    tpu.vector_store %arg5[%swap3A_217, %swap3A_218, %swap3A_219], %swap3A_222 {strides = array<i32>} : memref<23x128x128xbf16, #tpu.memory_space<vmem>>, vector<1x128x128xbf16>,
    %slice3A_223 = vector.extract_strided_slice %convert_element_type3A_12 {offsets = [8, 0], sizes = [1, 1024], strides = [1, 1]} : vector<23x1024xbf16> to vector<1x1024xbf16>
    %squeeze3A_224 = vector.shape_cast %slice3A_223 : vector<1x1024xbf16> to vector<1024xbf16>
    %broadcast_in_dim3A_225 = vector.shape_cast %squeeze3A_224 : vector<1024xbf16> to vector<1x1024xbf16>
    %broadcast_in_dim3A_226 = vector.shape_cast %broadcast_in_dim3A_225 : vector<1x1024xbf16> to vector<1x1024xbf16>
    %broadcast_in_dim3A_227 = vector.broadcast %broadcast_in_dim3A_226 : vector<1x1024xbf16> to vector<128x1024xbf16>
    %add3A_228 = arith.addf %convert_element_type3A_6, %broadcast_in_dim3A_227 : vector<128x1024xbf16>
    %slice3A_229 = vector.extract_strided_slice %add3A_228 {offsets = [0, 0], sizes = [128, 512], strides = [1, 1]} : vector<128x1024xbf16> to vector<128x512xbf16>
    %slice3A_230 = vector.extract_strided_slice %add3A_228 {offsets = [0, 512], sizes = [128, 512], strides = [1, 1]} : vector<128x1024xbf16> to vector<128x512xbf16>
    %max3A_231 = arith.maximumf %slice3A_229, %slice3A_230 : vector<128x512xbf16>
    %slice3A_232 = vector.extract_strided_slice %max3A_231 {offsets = [0, 0], sizes = [128, 256], strides = [1, 1]} : vector<128x512xbf16> to vector<128x256xbf16>
    %slice3A_233 = vector.extract_strided_slice %max3A_231 {offsets = [0, 256], sizes = [128, 256], strides = [1, 1]} : vector<128x512xbf16> to vector<128x256xbf16>
    %max3A_234 = arith.maximumf %slice3A_232, %slice3A_233 : vector<128x256xbf16>
    %slice3A_235 = vector.extract_strided_slice %max3A_234 {offsets = [0, 0], sizes = [128, 128], strides = [1, 1]} : vector<128x256xbf16> to vector<128x128xbf16>
    %slice3A_236 = vector.extract_strided_slice %max3A_234 {offsets = [0, 128], sizes = [128, 128], strides = [1, 1]} : vector<128x256xbf16> to vector<128x128xbf16>
    %max3A_237 = arith.maximumf %slice3A_235, %slice3A_236 : vector<128x128xbf16>
    %get3A_238 = arith.constant 8 : index
    %get3A_239 = arith.constant 0 : index
    %get3A_240 = arith.constant 0 : index
    %get3A_241 = vector.load %arg5[%get3A_238, %get3A_239, %get3A_240] : memref<23x128x128xbf16, #tpu.memory_space<vmem>>, vector<1x128x128xbf16>
    %get3A_242 = vector.shape_cast %get3A_241 : vector<1x128x128xbf16> to vector<128x128xbf16>
    %max3A_243 = arith.maximumf %get3A_242, %max3A_237 : vector<128x128xbf16>
    %swap3A_244 = arith.constant 8 : index
    %swap3A_245 = arith.constant 0 : index
    %swap3A_246 = arith.constant 0 : index
    %swap3A_247 = vector.load %arg5[%swap3A_244, %swap3A_245, %swap3A_246] : memref<23x128x128xbf16, #tpu.memory_space<vmem>>, vector<1x128x128xbf16>
    %swap3A_248 = vector.shape_cast %swap3A_247 : vector<1x128x128xbf16> to vector<128x128xbf16>
    %swap3A_249 = vector.shape_cast %max3A_243 : vector<128x128xbf16> to vector<1x128x128xbf16>
    tpu.vector_store %arg5[%swap3A_244, %swap3A_245, %swap3A_246], %swap3A_249 {strides = array<i32>} : memref<23x128x128xbf16, #tpu.memory_space<vmem>>, vector<1x128x128xbf16>,
    %slice3A_250 = vector.extract_strided_slice %convert_element_type3A_12 {offsets = [9, 0], sizes = [1, 1024], strides = [1, 1]} : vector<23x1024xbf16> to vector<1x1024xbf16>
    %squeeze3A_251 = vector.shape_cast %slice3A_250 : vector<1x1024xbf16> to vector<1024xbf16>
    %broadcast_in_dim3A_252 = vector.shape_cast %squeeze3A_251 : vector<1024xbf16> to vector<1x1024xbf16>
    %broadcast_in_dim3A_253 = vector.shape_cast %broadcast_in_dim3A_252 : vector<1x1024xbf16> to vector<1x1024xbf16>
    %broadcast_in_dim3A_254 = vector.broadcast %broadcast_in_dim3A_253 : vector<1x1024xbf16> to vector<128x1024xbf16>
    %add3A_255 = arith.addf %convert_element_type3A_6, %broadcast_in_dim3A_254 : vector<128x1024xbf16>
    %slice3A_256 = vector.extract_strided_slice %add3A_255 {offsets = [0, 0], sizes = [128, 512], strides = [1, 1]} : vector<128x1024xbf16> to vector<128x512xbf16>
    %slice3A_257 = vector.extract_strided_slice %add3A_255 {offsets = [0, 512], sizes = [128, 512], strides = [1, 1]} : vector<128x1024xbf16> to vector<128x512xbf16>
    %max3A_258 = arith.maximumf %slice3A_256, %slice3A_257 : vector<128x512xbf16>
    %slice3A_259 = vector.extract_strided_slice %max3A_258 {offsets = [0, 0], sizes = [128, 256], strides = [1, 1]} : vector<128x512xbf16> to vector<128x256xbf16>
    %slice3A_260 = vector.extract_strided_slice %max3A_258 {offsets = [0, 256], sizes = [128, 256], strides = [1, 1]} : vector<128x512xbf16> to vector<128x256xbf16>
    %max3A_261 = arith.maximumf %slice3A_259, %slice3A_260 : vector<128x256xbf16>
    %slice3A_262 = vector.extract_strided_slice %max3A_261 {offsets = [0, 0], sizes = [128, 128], strides = [1, 1]} : vector<128x256xbf16> to vector<128x128xbf16>
    %slice3A_263 = vector.extract_strided_slice %max3A_261 {offsets = [0, 128], sizes = [128, 128], strides = [1, 1]} : vector<128x256xbf16> to vector<128x128xbf16>
    %max3A_264 = arith.maximumf %slice3A_262, %slice3A_263 : vector<128x128xbf16>
    %get3A_265 = arith.constant 9 : index
    %get3A_266 = arith.constant 0 : index
    %get3A_267 = arith.constant 0 : index
    %get3A_268 = vector.load %arg5[%get3A_265, %get3A_266, %get3A_267] : memref<23x128x128xbf16, #tpu.memory_space<vmem>>, vector<1x128x128xbf16>
    %get3A_269 = vector.shape_cast %get3A_268 : vector<1x128x128xbf16> to vector<128x128xbf16>
    %max3A_270 = arith.maximumf %get3A_269, %max3A_264 : vector<128x128xbf16>
    %swap3A_271 = arith.constant 9 : index
    %swap3A_272 = arith.constant 0 : index
    %swap3A_273 = arith.constant 0 : index
    %swap3A_274 = vector.load %arg5[%swap3A_271, %swap3A_272, %swap3A_273] : memref<23x128x128xbf16, #tpu.memory_space<vmem>>, vector<1x128x128xbf16>
    %swap3A_275 = vector.shape_cast %swap3A_274 : vector<1x128x128xbf16> to vector<128x128xbf16>
    %swap3A_276 = vector.shape_cast %max3A_270 : vector<128x128xbf16> to vector<1x128x128xbf16>
    tpu.vector_store %arg5[%swap3A_271, %swap3A_272, %swap3A_273], %swap3A_276 {strides = array<i32>} : memref<23x128x128xbf16, #tpu.memory_space<vmem>>, vector<1x128x128xbf16>,
    %slice3A_277 = vector.extract_strided_slice %convert_element_type3A_12 {offsets = [10, 0], sizes = [1, 1024], strides = [1, 1]} : vector<23x1024xbf16> to vector<1x1024xbf16>
    %squeeze3A_278 = vector.shape_cast %slice3A_277 : vector<1x1024xbf16> to vector<1024xbf16>
    %broadcast_in_dim3A_279 = vector.shape_cast %squeeze3A_278 : vector<1024xbf16> to vector<1x1024xbf16>
    %broadcast_in_dim3A_280 = vector.shape_cast %broadcast_in_dim3A_279 : vector<1x1024xbf16> to vector<1x1024xbf16>
    %broadcast_in_dim3A_281 = vector.broadcast %broadcast_in_dim3A_280 : vector<1x1024xbf16> to vector<128x1024xbf16>
    %add3A_282 = arith.addf %convert_element_type3A_6, %broadcast_in_dim3A_281 : vector<128x1024xbf16>
    %slice3A_283 = vector.extract_strided_slice %add3A_282 {offsets = [0, 0], sizes = [128, 512], strides = [1, 1]} : vector<128x1024xbf16> to vector<128x512xbf16>
    %slice3A_284 = vector.extract_strided_slice %add3A_282 {offsets = [0, 512], sizes = [128, 512], strides = [1, 1]} : vector<128x1024xbf16> to vector<128x512xbf16>
    %max3A_285 = arith.maximumf %slice3A_283, %slice3A_284 : vector<128x512xbf16>
    %slice3A_286 = vector.extract_strided_slice %max3A_285 {offsets = [0, 0], sizes = [128, 256], strides = [1, 1]} : vector<128x512xbf16> to vector<128x256xbf16>
    %slice3A_287 = vector.extract_strided_slice %max3A_285 {offsets = [0, 256], sizes = [128, 256], strides = [1, 1]} : vector<128x512xbf16> to vector<128x256xbf16>
    %max3A_288 = arith.maximumf %slice3A_286, %slice3A_287 : vector<128x256xbf16>
    %slice3A_289 = vector.extract_strided_slice %max3A_288 {offsets = [0, 0], sizes = [128, 128], strides = [1, 1]} : vector<128x256xbf16> to vector<128x128xbf16>
    %slice3A_290 = vector.extract_strided_slice %max3A_288 {offsets = [0, 128], sizes = [128, 128], strides = [1, 1]} : vector<128x256xbf16> to vector<128x128xbf16>
    %max3A_291 = arith.maximumf %slice3A_289, %slice3A_290 : vector<128x128xbf16>
    %get3A_292 = arith.constant 10 : index
    %get3A_293 = arith.constant 0 : index
    %get3A_294 = arith.constant 0 : index
    %get3A_295 = vector.load %arg5[%get3A_292, %get3A_293, %get3A_294] : memref<23x128x128xbf16, #tpu.memory_space<vmem>>, vector<1x128x128xbf16>
    %get3A_296 = vector.shape_cast %get3A_295 : vector<1x128x128xbf16> to vector<128x128xbf16>
    %max3A_297 = arith.maximumf %get3A_296, %max3A_291 : vector<128x128xbf16>
    %swap3A_298 = arith.constant 10 : index
    %swap3A_299 = arith.constant 0 : index
    %swap3A_300 = arith.constant 0 : index
    %swap3A_301 = vector.load %arg5[%swap3A_298, %swap3A_299, %swap3A_300] : memref<23x128x128xbf16, #tpu.memory_space<vmem>>, vector<1x128x128xbf16>
    %swap3A_302 = vector.shape_cast %swap3A_301 : vector<1x128x128xbf16> to vector<128x128xbf16>
    %swap3A_303 = vector.shape_cast %max3A_297 : vector<128x128xbf16> to vector<1x128x128xbf16>
    tpu.vector_store %arg5[%swap3A_298, %swap3A_299, %swap3A_300], %swap3A_303 {strides = array<i32>} : memref<23x128x128xbf16, #tpu.memory_space<vmem>>, vector<1x128x128xbf16>,
    %slice3A_304 = vector.extract_strided_slice %convert_element_type3A_12 {offsets = [11, 0], sizes = [1, 1024], strides = [1, 1]} : vector<23x1024xbf16> to vector<1x1024xbf16>
    %squeeze3A_305 = vector.shape_cast %slice3A_304 : vector<1x1024xbf16> to vector<1024xbf16>
    %broadcast_in_dim3A_306 = vector.shape_cast %squeeze3A_305 : vector<1024xbf16> to vector<1x1024xbf16>
    %broadcast_in_dim3A_307 = vector.shape_cast %broadcast_in_dim3A_306 : vector<1x1024xbf16> to vector<1x1024xbf16>
    %broadcast_in_dim3A_308 = vector.broadcast %broadcast_in_dim3A_307 : vector<1x1024xbf16> to vector<128x1024xbf16>
    %add3A_309 = arith.addf %convert_element_type3A_6, %broadcast_in_dim3A_308 : vector<128x1024xbf16>
    %slice3A_310 = vector.extract_strided_slice %add3A_309 {offsets = [0, 0], sizes = [128, 512], strides = [1, 1]} : vector<128x1024xbf16> to vector<128x512xbf16>
    %slice3A_311 = vector.extract_strided_slice %add3A_309 {offsets = [0, 512], sizes = [128, 512], strides = [1, 1]} : vector<128x1024xbf16> to vector<128x512xbf16>
    %max3A_312 = arith.maximumf %slice3A_310, %slice3A_311 : vector<128x512xbf16>
    %slice3A_313 = vector.extract_strided_slice %max3A_312 {offsets = [0, 0], sizes = [128, 256], strides = [1, 1]} : vector<128x512xbf16> to vector<128x256xbf16>
    %slice3A_314 = vector.extract_strided_slice %max3A_312 {offsets = [0, 256], sizes = [128, 256], strides = [1, 1]} : vector<128x512xbf16> to vector<128x256xbf16>
    %max3A_315 = arith.maximumf %slice3A_313, %slice3A_314 : vector<128x256xbf16>
    %slice3A_316 = vector.extract_strided_slice %max3A_315 {offsets = [0, 0], sizes = [128, 128], strides = [1, 1]} : vector<128x256xbf16> to vector<128x128xbf16>
    %slice3A_317 = vector.extract_strided_slice %max3A_315 {offsets = [0, 128], sizes = [128, 128], strides = [1, 1]} : vector<128x256xbf16> to vector<128x128xbf16>
    %max3A_318 = arith.maximumf %slice3A_316, %slice3A_317 : vector<128x128xbf16>
    %get3A_319 = arith.constant 11 : index
    %get3A_320 = arith.constant 0 : index
    %get3A_321 = arith.constant 0 : index
    %get3A_322 = vector.load %arg5[%get3A_319, %get3A_320, %get3A_321] : memref<23x128x128xbf16, #tpu.memory_space<vmem>>, vector<1x128x128xbf16>
    %get3A_323 = vector.shape_cast %get3A_322 : vector<1x128x128xbf16> to vector<128x128xbf16>
    %max3A_324 = arith.maximumf %get3A_323, %max3A_318 : vector<128x128xbf16>
    %swap3A_325 = arith.constant 11 : index
    %swap3A_326 = arith.constant 0 : index
    %swap3A_327 = arith.constant 0 : index
    %swap3A_328 = vector.load %arg5[%swap3A_325, %swap3A_326, %swap3A_327] : memref<23x128x128xbf16, #tpu.memory_space<vmem>>, vector<1x128x128xbf16>
    %swap3A_329 = vector.shape_cast %swap3A_328 : vector<1x128x128xbf16> to vector<128x128xbf16>
    %swap3A_330 = vector.shape_cast %max3A_324 : vector<128x128xbf16> to vector<1x128x128xbf16>
    tpu.vector_store %arg5[%swap3A_325, %swap3A_326, %swap3A_327], %swap3A_330 {strides = array<i32>} : memref<23x128x128xbf16, #tpu.memory_space<vmem>>, vector<1x128x128xbf16>,
    %slice3A_331 = vector.extract_strided_slice %convert_element_type3A_12 {offsets = [12, 0], sizes = [1, 1024], strides = [1, 1]} : vector<23x1024xbf16> to vector<1x1024xbf16>
    %squeeze3A_332 = vector.shape_cast %slice3A_331 : vector<1x1024xbf16> to vector<1024xbf16>
    %broadcast_in_dim3A_333 = vector.shape_cast %squeeze3A_332 : vector<1024xbf16> to vector<1x1024xbf16>
    %broadcast_in_dim3A_334 = vector.shape_cast %broadcast_in_dim3A_333 : vector<1x1024xbf16> to vector<1x1024xbf16>
    %broadcast_in_dim3A_335 = vector.broadcast %broadcast_in_dim3A_334 : vector<1x1024xbf16> to vector<128x1024xbf16>
    %add3A_336 = arith.addf %convert_element_type3A_6, %broadcast_in_dim3A_335 : vector<128x1024xbf16>
    %slice3A_337 = vector.extract_strided_slice %add3A_336 {offsets = [0, 0], sizes = [128, 512], strides = [1, 1]} : vector<128x1024xbf16> to vector<128x512xbf16>
    %slice3A_338 = vector.extract_strided_slice %add3A_336 {offsets = [0, 512], sizes = [128, 512], strides = [1, 1]} : vector<128x1024xbf16> to vector<128x512xbf16>
    %max3A_339 = arith.maximumf %slice3A_337, %slice3A_338 : vector<128x512xbf16>
    %slice3A_340 = vector.extract_strided_slice %max3A_339 {offsets = [0, 0], sizes = [128, 256], strides = [1, 1]} : vector<128x512xbf16> to vector<128x256xbf16>
    %slice3A_341 = vector.extract_strided_slice %max3A_339 {offsets = [0, 256], sizes = [128, 256], strides = [1, 1]} : vector<128x512xbf16> to vector<128x256xbf16>
    %max3A_342 = arith.maximumf %slice3A_340, %slice3A_341 : vector<128x256xbf16>
    %slice3A_343 = vector.extract_strided_slice %max3A_342 {offsets = [0, 0], sizes = [128, 128], strides = [1, 1]} : vector<128x256xbf16> to vector<128x128xbf16>
    %slice3A_344 = vector.extract_strided_slice %max3A_342 {offsets = [0, 128], sizes = [128, 128], strides = [1, 1]} : vector<128x256xbf16> to vector<128x128xbf16>
    %max3A_345 = arith.maximumf %slice3A_343, %slice3A_344 : vector<128x128xbf16>
    %get3A_346 = arith.constant 12 : index
    %get3A_347 = arith.constant 0 : index
    %get3A_348 = arith.constant 0 : index
    %get3A_349 = vector.load %arg5[%get3A_346, %get3A_347, %get3A_348] : memref<23x128x128xbf16, #tpu.memory_space<vmem>>, vector<1x128x128xbf16>
    %get3A_350 = vector.shape_cast %get3A_349 : vector<1x128x128xbf16> to vector<128x128xbf16>
    %max3A_351 = arith.maximumf %get3A_350, %max3A_345 : vector<128x128xbf16>
    %swap3A_352 = arith.constant 12 : index
    %swap3A_353 = arith.constant 0 : index
    %swap3A_354 = arith.constant 0 : index
    %swap3A_355 = vector.load %arg5[%swap3A_352, %swap3A_353, %swap3A_354] : memref<23x128x128xbf16, #tpu.memory_space<vmem>>, vector<1x128x128xbf16>
    %swap3A_356 = vector.shape_cast %swap3A_355 : vector<1x128x128xbf16> to vector<128x128xbf16>
    %swap3A_357 = vector.shape_cast %max3A_351 : vector<128x128xbf16> to vector<1x128x128xbf16>
    tpu.vector_store %arg5[%swap3A_352, %swap3A_353, %swap3A_354], %swap3A_357 {strides = array<i32>} : memref<23x128x128xbf16, #tpu.memory_space<vmem>>, vector<1x128x128xbf16>,
    %slice3A_358 = vector.extract_strided_slice %convert_element_type3A_12 {offsets = [13, 0], sizes = [1, 1024], strides = [1, 1]} : vector<23x1024xbf16> to vector<1x1024xbf16>
    %squeeze3A_359 = vector.shape_cast %slice3A_358 : vector<1x1024xbf16> to vector<1024xbf16>
    %broadcast_in_dim3A_360 = vector.shape_cast %squeeze3A_359 : vector<1024xbf16> to vector<1x1024xbf16>
    %broadcast_in_dim3A_361 = vector.shape_cast %broadcast_in_dim3A_360 : vector<1x1024xbf16> to vector<1x1024xbf16>
    %broadcast_in_dim3A_362 = vector.broadcast %broadcast_in_dim3A_361 : vector<1x1024xbf16> to vector<128x1024xbf16>
    %add3A_363 = arith.addf %convert_element_type3A_6, %broadcast_in_dim3A_362 : vector<128x1024xbf16>
    %slice3A_364 = vector.extract_strided_slice %add3A_363 {offsets = [0, 0], sizes = [128, 512], strides = [1, 1]} : vector<128x1024xbf16> to vector<128x512xbf16>
    %slice3A_365 = vector.extract_strided_slice %add3A_363 {offsets = [0, 512], sizes = [128, 512], strides = [1, 1]} : vector<128x1024xbf16> to vector<128x512xbf16>
    %max3A_366 = arith.maximumf %slice3A_364, %slice3A_365 : vector<128x512xbf16>
    %slice3A_367 = vector.extract_strided_slice %max3A_366 {offsets = [0, 0], sizes = [128, 256], strides = [1, 1]} : vector<128x512xbf16> to vector<128x256xbf16>
    %slice3A_368 = vector.extract_strided_slice %max3A_366 {offsets = [0, 256], sizes = [128, 256], strides = [1, 1]} : vector<128x512xbf16> to vector<128x256xbf16>
    %max3A_369 = arith.maximumf %slice3A_367, %slice3A_368 : vector<128x256xbf16>
    %slice3A_370 = vector.extract_strided_slice %max3A_369 {offsets = [0, 0], sizes = [128, 128], strides = [1, 1]} : vector<128x256xbf16> to vector<128x128xbf16>
    %slice3A_371 = vector.extract_strided_slice %max3A_369 {offsets = [0, 128], sizes = [128, 128], strides = [1, 1]} : vector<128x256xbf16> to vector<128x128xbf16>
    %max3A_372 = arith.maximumf %slice3A_370, %slice3A_371 : vector<128x128xbf16>
    %get3A_373 = arith.constant 13 : index
    %get3A_374 = arith.constant 0 : index
    %get3A_375 = arith.constant 0 : index
    %get3A_376 = vector.load %arg5[%get3A_373, %get3A_374, %get3A_375] : memref<23x128x128xbf16, #tpu.memory_space<vmem>>, vector<1x128x128xbf16>
    %get3A_377 = vector.shape_cast %get3A_376 : vector<1x128x128xbf16> to vector<128x128xbf16>
    %max3A_378 = arith.maximumf %get3A_377, %max3A_372 : vector<128x128xbf16>
    %swap3A_379 = arith.constant 13 : index
    %swap3A_380 = arith.constant 0 : index
    %swap3A_381 = arith.constant 0 : index
    %swap3A_382 = vector.load %arg5[%swap3A_379, %swap3A_380, %swap3A_381] : memref<23x128x128xbf16, #tpu.memory_space<vmem>>, vector<1x128x128xbf16>
    %swap3A_383 = vector.shape_cast %swap3A_382 : vector<1x128x128xbf16> to vector<128x128xbf16>
    %swap3A_384 = vector.shape_cast %max3A_378 : vector<128x128xbf16> to vector<1x128x128xbf16>
    tpu.vector_store %arg5[%swap3A_379, %swap3A_380, %swap3A_381], %swap3A_384 {strides = array<i32>} : memref<23x128x128xbf16, #tpu.memory_space<vmem>>, vector<1x128x128xbf16>,
    %slice3A_385 = vector.extract_strided_slice %convert_element_type3A_12 {offsets = [14, 0], sizes = [1, 1024], strides = [1, 1]} : vector<23x1024xbf16> to vector<1x1024xbf16>
    %squeeze3A_386 = vector.shape_cast %slice3A_385 : vector<1x1024xbf16> to vector<1024xbf16>
    %broadcast_in_dim3A_387 = vector.shape_cast %squeeze3A_386 : vector<1024xbf16> to vector<1x1024xbf16>
    %broadcast_in_dim3A_388 = vector.shape_cast %broadcast_in_dim3A_387 : vector<1x1024xbf16> to vector<1x1024xbf16>
    %broadcast_in_dim3A_389 = vector.broadcast %broadcast_in_dim3A_388 : vector<1x1024xbf16> to vector<128x1024xbf16>
    %add3A_390 = arith.addf %convert_element_type3A_6, %broadcast_in_dim3A_389 : vector<128x1024xbf16>
    %slice3A_391 = vector.extract_strided_slice %add3A_390 {offsets = [0, 0], sizes = [128, 512], strides = [1, 1]} : vector<128x1024xbf16> to vector<128x512xbf16>
    %slice3A_392 = vector.extract_strided_slice %add3A_390 {offsets = [0, 512], sizes = [128, 512], strides = [1, 1]} : vector<128x1024xbf16> to vector<128x512xbf16>
    %max3A_393 = arith.maximumf %slice3A_391, %slice3A_392 : vector<128x512xbf16>
    %slice3A_394 = vector.extract_strided_slice %max3A_393 {offsets = [0, 0], sizes = [128, 256], strides = [1, 1]} : vector<128x512xbf16> to vector<128x256xbf16>
    %slice3A_395 = vector.extract_strided_slice %max3A_393 {offsets = [0, 256], sizes = [128, 256], strides = [1, 1]} : vector<128x512xbf16> to vector<128x256xbf16>
    %max3A_396 = arith.maximumf %slice3A_394, %slice3A_395 : vector<128x256xbf16>
    %slice3A_397 = vector.extract_strided_slice %max3A_396 {offsets = [0, 0], sizes = [128, 128], strides = [1, 1]} : vector<128x256xbf16> to vector<128x128xbf16>
    %slice3A_398 = vector.extract_strided_slice %max3A_396 {offsets = [0, 128], sizes = [128, 128], strides = [1, 1]} : vector<128x256xbf16> to vector<128x128xbf16>
    %max3A_399 = arith.maximumf %slice3A_397, %slice3A_398 : vector<128x128xbf16>
    %get3A_400 = arith.constant 14 : index
    %get3A_401 = arith.constant 0 : index
    %get3A_402 = arith.constant 0 : index
    %get3A_403 = vector.load %arg5[%get3A_400, %get3A_401, %get3A_402] : memref<23x128x128xbf16, #tpu.memory_space<vmem>>, vector<1x128x128xbf16>
    %get3A_404 = vector.shape_cast %get3A_403 : vector<1x128x128xbf16> to vector<128x128xbf16>
    %max3A_405 = arith.maximumf %get3A_404, %max3A_399 : vector<128x128xbf16>
    %swap3A_406 = arith.constant 14 : index
    %swap3A_407 = arith.constant 0 : index
    %swap3A_408 = arith.constant 0 : index
    %swap3A_409 = vector.load %arg5[%swap3A_406, %swap3A_407, %swap3A_408] : memref<23x128x128xbf16, #tpu.memory_space<vmem>>, vector<1x128x128xbf16>
    %swap3A_410 = vector.shape_cast %swap3A_409 : vector<1x128x128xbf16> to vector<128x128xbf16>
    %swap3A_411 = vector.shape_cast %max3A_405 : vector<128x128xbf16> to vector<1x128x128xbf16>
    tpu.vector_store %arg5[%swap3A_406, %swap3A_407, %swap3A_408], %swap3A_411 {strides = array<i32>} : memref<23x128x128xbf16, #tpu.memory_space<vmem>>, vector<1x128x128xbf16>,
    %slice3A_412 = vector.extract_strided_slice %convert_element_type3A_12 {offsets = [15, 0], sizes = [1, 1024], strides = [1, 1]} : vector<23x1024xbf16> to vector<1x1024xbf16>
    %squeeze3A_413 = vector.shape_cast %slice3A_412 : vector<1x1024xbf16> to vector<1024xbf16>
    %broadcast_in_dim3A_414 = vector.shape_cast %squeeze3A_413 : vector<1024xbf16> to vector<1x1024xbf16>
    %broadcast_in_dim3A_415 = vector.shape_cast %broadcast_in_dim3A_414 : vector<1x1024xbf16> to vector<1x1024xbf16>
    %broadcast_in_dim3A_416 = vector.broadcast %broadcast_in_dim3A_415 : vector<1x1024xbf16> to vector<128x1024xbf16>
    %add3A_417 = arith.addf %convert_element_type3A_6, %broadcast_in_dim3A_416 : vector<128x1024xbf16>
    %slice3A_418 = vector.extract_strided_slice %add3A_417 {offsets = [0, 0], sizes = [128, 512], strides = [1, 1]} : vector<128x1024xbf16> to vector<128x512xbf16>
    %slice3A_419 = vector.extract_strided_slice %add3A_417 {offsets = [0, 512], sizes = [128, 512], strides = [1, 1]} : vector<128x1024xbf16> to vector<128x512xbf16>
    %max3A_420 = arith.maximumf %slice3A_418, %slice3A_419 : vector<128x512xbf16>
    %slice3A_421 = vector.extract_strided_slice %max3A_420 {offsets = [0, 0], sizes = [128, 256], strides = [1, 1]} : vector<128x512xbf16> to vector<128x256xbf16>
    %slice3A_422 = vector.extract_strided_slice %max3A_420 {offsets = [0, 256], sizes = [128, 256], strides = [1, 1]} : vector<128x512xbf16> to vector<128x256xbf16>
    %max3A_423 = arith.maximumf %slice3A_421, %slice3A_422 : vector<128x256xbf16>
    %slice3A_424 = vector.extract_strided_slice %max3A_423 {offsets = [0, 0], sizes = [128, 128], strides = [1, 1]} : vector<128x256xbf16> to vector<128x128xbf16>
    %slice3A_425 = vector.extract_strided_slice %max3A_423 {offsets = [0, 128], sizes = [128, 128], strides = [1, 1]} : vector<128x256xbf16> to vector<128x128xbf16>
    %max3A_426 = arith.maximumf %slice3A_424, %slice3A_425 : vector<128x128xbf16>
    %get3A_427 = arith.constant 15 : index
    %get3A_428 = arith.constant 0 : index
    %get3A_429 = arith.constant 0 : index
    %get3A_430 = vector.load %arg5[%get3A_427, %get3A_428, %get3A_429] : memref<23x128x128xbf16, #tpu.memory_space<vmem>>, vector<1x128x128xbf16>
    %get3A_431 = vector.shape_cast %get3A_430 : vector<1x128x128xbf16> to vector<128x128xbf16>
    %max3A_432 = arith.maximumf %get3A_431, %max3A_426 : vector<128x128xbf16>
    %swap3A_433 = arith.constant 15 : index
    %swap3A_434 = arith.constant 0 : index
    %swap3A_435 = arith.constant 0 : index
    %swap3A_436 = vector.load %arg5[%swap3A_433, %swap3A_434, %swap3A_435] : memref<23x128x128xbf16, #tpu.memory_space<vmem>>, vector<1x128x128xbf16>
    %swap3A_437 = vector.shape_cast %swap3A_436 : vector<1x128x128xbf16> to vector<128x128xbf16>
    %swap3A_438 = vector.shape_cast %max3A_432 : vector<128x128xbf16> to vector<1x128x128xbf16>
    tpu.vector_store %arg5[%swap3A_433, %swap3A_434, %swap3A_435], %swap3A_438 {strides = array<i32>} : memref<23x128x128xbf16, #tpu.memory_space<vmem>>, vector<1x128x128xbf16>,
    %slice3A_439 = vector.extract_strided_slice %convert_element_type3A_12 {offsets = [16, 0], sizes = [1, 1024], strides = [1, 1]} : vector<23x1024xbf16> to vector<1x1024xbf16>
    %squeeze3A_440 = vector.shape_cast %slice3A_439 : vector<1x1024xbf16> to vector<1024xbf16>
    %broadcast_in_dim3A_441 = vector.shape_cast %squeeze3A_440 : vector<1024xbf16> to vector<1x1024xbf16>
    %broadcast_in_dim3A_442 = vector.shape_cast %broadcast_in_dim3A_441 : vector<1x1024xbf16> to vector<1x1024xbf16>
    %broadcast_in_dim3A_443 = vector.broadcast %broadcast_in_dim3A_442 : vector<1x1024xbf16> to vector<128x1024xbf16>
    %add3A_444 = arith.addf %convert_element_type3A_6, %broadcast_in_dim3A_443 : vector<128x1024xbf16>
    %slice3A_445 = vector.extract_strided_slice %add3A_444 {offsets = [0, 0], sizes = [128, 512], strides = [1, 1]} : vector<128x1024xbf16> to vector<128x512xbf16>
    %slice3A_446 = vector.extract_strided_slice %add3A_444 {offsets = [0, 512], sizes = [128, 512], strides = [1, 1]} : vector<128x1024xbf16> to vector<128x512xbf16>
    %max3A_447 = arith.maximumf %slice3A_445, %slice3A_446 : vector<128x512xbf16>
    %slice3A_448 = vector.extract_strided_slice %max3A_447 {offsets = [0, 0], sizes = [128, 256], strides = [1, 1]} : vector<128x512xbf16> to vector<128x256xbf16>
    %slice3A_449 = vector.extract_strided_slice %max3A_447 {offsets = [0, 256], sizes = [128, 256], strides = [1, 1]} : vector<128x512xbf16> to vector<128x256xbf16>
    %max3A_450 = arith.maximumf %slice3A_448, %slice3A_449 : vector<128x256xbf16>
    %slice3A_451 = vector.extract_strided_slice %max3A_450 {offsets = [0, 0], sizes = [128, 128], strides = [1, 1]} : vector<128x256xbf16> to vector<128x128xbf16>
    %slice3A_452 = vector.extract_strided_slice %max3A_450 {offsets = [0, 128], sizes = [128, 128], strides = [1, 1]} : vector<128x256xbf16> to vector<128x128xbf16>
    %max3A_453 = arith.maximumf %slice3A_451, %slice3A_452 : vector<128x128xbf16>
    %get3A_454 = arith.constant 16 : index
    %get3A_455 = arith.constant 0 : index
    %get3A_456 = arith.constant 0 : index
    %get3A_457 = vector.load %arg5[%get3A_454, %get3A_455, %get3A_456] : memref<23x128x128xbf16, #tpu.memory_space<vmem>>, vector<1x128x128xbf16>
    %get3A_458 = vector.shape_cast %get3A_457 : vector<1x128x128xbf16> to vector<128x128xbf16>
    %max3A_459 = arith.maximumf %get3A_458, %max3A_453 : vector<128x128xbf16>
    %swap3A_460 = arith.constant 16 : index
    %swap3A_461 = arith.constant 0 : index
    %swap3A_462 = arith.constant 0 : index
    %swap3A_463 = vector.load %arg5[%swap3A_460, %swap3A_461, %swap3A_462] : memref<23x128x128xbf16, #tpu.memory_space<vmem>>, vector<1x128x128xbf16>
    %swap3A_464 = vector.shape_cast %swap3A_463 : vector<1x128x128xbf16> to vector<128x128xbf16>
    %swap3A_465 = vector.shape_cast %max3A_459 : vector<128x128xbf16> to vector<1x128x128xbf16>
    tpu.vector_store %arg5[%swap3A_460, %swap3A_461, %swap3A_462], %swap3A_465 {strides = array<i32>} : memref<23x128x128xbf16, #tpu.memory_space<vmem>>, vector<1x128x128xbf16>,
    %slice3A_466 = vector.extract_strided_slice %convert_element_type3A_12 {offsets = [17, 0], sizes = [1, 1024], strides = [1, 1]} : vector<23x1024xbf16> to vector<1x1024xbf16>
    %squeeze3A_467 = vector.shape_cast %slice3A_466 : vector<1x1024xbf16> to vector<1024xbf16>
    %broadcast_in_dim3A_468 = vector.shape_cast %squeeze3A_467 : vector<1024xbf16> to vector<1x1024xbf16>
    %broadcast_in_dim3A_469 = vector.shape_cast %broadcast_in_dim3A_468 : vector<1x1024xbf16> to vector<1x1024xbf16>
    %broadcast_in_dim3A_470 = vector.broadcast %broadcast_in_dim3A_469 : vector<1x1024xbf16> to vector<128x1024xbf16>
    %add3A_471 = arith.addf %convert_element_type3A_6, %broadcast_in_dim3A_470 : vector<128x1024xbf16>
    %slice3A_472 = vector.extract_strided_slice %add3A_471 {offsets = [0, 0], sizes = [128, 512], strides = [1, 1]} : vector<128x1024xbf16> to vector<128x512xbf16>
    %slice3A_473 = vector.extract_strided_slice %add3A_471 {offsets = [0, 512], sizes = [128, 512], strides = [1, 1]} : vector<128x1024xbf16> to vector<128x512xbf16>
    %max3A_474 = arith.maximumf %slice3A_472, %slice3A_473 : vector<128x512xbf16>
    %slice3A_475 = vector.extract_strided_slice %max3A_474 {offsets = [0, 0], sizes = [128, 256], strides = [1, 1]} : vector<128x512xbf16> to vector<128x256xbf16>
    %slice3A_476 = vector.extract_strided_slice %max3A_474 {offsets = [0, 256], sizes = [128, 256], strides = [1, 1]} : vector<128x512xbf16> to vector<128x256xbf16>
    %max3A_477 = arith.maximumf %slice3A_475, %slice3A_476 : vector<128x256xbf16>
    %slice3A_478 = vector.extract_strided_slice %max3A_477 {offsets = [0, 0], sizes = [128, 128], strides = [1, 1]} : vector<128x256xbf16> to vector<128x128xbf16>
    %slice3A_479 = vector.extract_strided_slice %max3A_477 {offsets = [0, 128], sizes = [128, 128], strides = [1, 1]} : vector<128x256xbf16> to vector<128x128xbf16>
    %max3A_480 = arith.maximumf %slice3A_478, %slice3A_479 : vector<128x128xbf16>
    %get3A_481 = arith.constant 17 : index
    %get3A_482 = arith.constant 0 : index
    %get3A_483 = arith.constant 0 : index
    %get3A_484 = vector.load %arg5[%get3A_481, %get3A_482, %get3A_483] : memref<23x128x128xbf16, #tpu.memory_space<vmem>>, vector<1x128x128xbf16>
    %get3A_485 = vector.shape_cast %get3A_484 : vector<1x128x128xbf16> to vector<128x128xbf16>
    %max3A_486 = arith.maximumf %get3A_485, %max3A_480 : vector<128x128xbf16>
    %swap3A_487 = arith.constant 17 : index
    %swap3A_488 = arith.constant 0 : index
    %swap3A_489 = arith.constant 0 : index
    %swap3A_490 = vector.load %arg5[%swap3A_487, %swap3A_488, %swap3A_489] : memref<23x128x128xbf16, #tpu.memory_space<vmem>>, vector<1x128x128xbf16>
    %swap3A_491 = vector.shape_cast %swap3A_490 : vector<1x128x128xbf16> to vector<128x128xbf16>
    %swap3A_492 = vector.shape_cast %max3A_486 : vector<128x128xbf16> to vector<1x128x128xbf16>
    tpu.vector_store %arg5[%swap3A_487, %swap3A_488, %swap3A_489], %swap3A_492 {strides = array<i32>} : memref<23x128x128xbf16, #tpu.memory_space<vmem>>, vector<1x128x128xbf16>,
    %slice3A_493 = vector.extract_strided_slice %convert_element_type3A_12 {offsets = [18, 0], sizes = [1, 1024], strides = [1, 1]} : vector<23x1024xbf16> to vector<1x1024xbf16>
    %squeeze3A_494 = vector.shape_cast %slice3A_493 : vector<1x1024xbf16> to vector<1024xbf16>
    %broadcast_in_dim3A_495 = vector.shape_cast %squeeze3A_494 : vector<1024xbf16> to vector<1x1024xbf16>
    %broadcast_in_dim3A_496 = vector.shape_cast %broadcast_in_dim3A_495 : vector<1x1024xbf16> to vector<1x1024xbf16>
    %broadcast_in_dim3A_497 = vector.broadcast %broadcast_in_dim3A_496 : vector<1x1024xbf16> to vector<128x1024xbf16>
    %add3A_498 = arith.addf %convert_element_type3A_6, %broadcast_in_dim3A_497 : vector<128x1024xbf16>
    %slice3A_499 = vector.extract_strided_slice %add3A_498 {offsets = [0, 0], sizes = [128, 512], strides = [1, 1]} : vector<128x1024xbf16> to vector<128x512xbf16>
    %slice3A_500 = vector.extract_strided_slice %add3A_498 {offsets = [0, 512], sizes = [128, 512], strides = [1, 1]} : vector<128x1024xbf16> to vector<128x512xbf16>
    %max3A_501 = arith.maximumf %slice3A_499, %slice3A_500 : vector<128x512xbf16>
    %slice3A_502 = vector.extract_strided_slice %max3A_501 {offsets = [0, 0], sizes = [128, 256], strides = [1, 1]} : vector<128x512xbf16> to vector<128x256xbf16>
    %slice3A_503 = vector.extract_strided_slice %max3A_501 {offsets = [0, 256], sizes = [128, 256], strides = [1, 1]} : vector<128x512xbf16> to vector<128x256xbf16>
    %max3A_504 = arith.maximumf %slice3A_502, %slice3A_503 : vector<128x256xbf16>
    %slice3A_505 = vector.extract_strided_slice %max3A_504 {offsets = [0, 0], sizes = [128, 128], strides = [1, 1]} : vector<128x256xbf16> to vector<128x128xbf16>
    %slice3A_506 = vector.extract_strided_slice %max3A_504 {offsets = [0, 128], sizes = [128, 128], strides = [1, 1]} : vector<128x256xbf16> to vector<128x128xbf16>
    %max3A_507 = arith.maximumf %slice3A_505, %slice3A_506 : vector<128x128xbf16>
    %get3A_508 = arith.constant 18 : index
    %get3A_509 = arith.constant 0 : index
    %get3A_510 = arith.constant 0 : index
    %get3A_511 = vector.load %arg5[%get3A_508, %get3A_509, %get3A_510] : memref<23x128x128xbf16, #tpu.memory_space<vmem>>, vector<1x128x128xbf16>
    %get3A_512 = vector.shape_cast %get3A_511 : vector<1x128x128xbf16> to vector<128x128xbf16>
    %max3A_513 = arith.maximumf %get3A_512, %max3A_507 : vector<128x128xbf16>
    %swap3A_514 = arith.constant 18 : index
    %swap3A_515 = arith.constant 0 : index
    %swap3A_516 = arith.constant 0 : index
    %swap3A_517 = vector.load %arg5[%swap3A_514, %swap3A_515, %swap3A_516] : memref<23x128x128xbf16, #tpu.memory_space<vmem>>, vector<1x128x128xbf16>
    %swap3A_518 = vector.shape_cast %swap3A_517 : vector<1x128x128xbf16> to vector<128x128xbf16>
    %swap3A_519 = vector.shape_cast %max3A_513 : vector<128x128xbf16> to vector<1x128x128xbf16>
    tpu.vector_store %arg5[%swap3A_514, %swap3A_515, %swap3A_516], %swap3A_519 {strides = array<i32>} : memref<23x128x128xbf16, #tpu.memory_space<vmem>>, vector<1x128x128xbf16>,
    %slice3A_520 = vector.extract_strided_slice %convert_element_type3A_12 {offsets = [19, 0], sizes = [1, 1024], strides = [1, 1]} : vector<23x1024xbf16> to vector<1x1024xbf16>
    %squeeze3A_521 = vector.shape_cast %slice3A_520 : vector<1x1024xbf16> to vector<1024xbf16>
    %broadcast_in_dim3A_522 = vector.shape_cast %squeeze3A_521 : vector<1024xbf16> to vector<1x1024xbf16>
    %broadcast_in_dim3A_523 = vector.shape_cast %broadcast_in_dim3A_522 : vector<1x1024xbf16> to vector<1x1024xbf16>
    %broadcast_in_dim3A_524 = vector.broadcast %broadcast_in_dim3A_523 : vector<1x1024xbf16> to vector<128x1024xbf16>
    %add3A_525 = arith.addf %convert_element_type3A_6, %broadcast_in_dim3A_524 : vector<128x1024xbf16>
    %slice3A_526 = vector.extract_strided_slice %add3A_525 {offsets = [0, 0], sizes = [128, 512], strides = [1, 1]} : vector<128x1024xbf16> to vector<128x512xbf16>
    %slice3A_527 = vector.extract_strided_slice %add3A_525 {offsets = [0, 512], sizes = [128, 512], strides = [1, 1]} : vector<128x1024xbf16> to vector<128x512xbf16>
    %max3A_528 = arith.maximumf %slice3A_526, %slice3A_527 : vector<128x512xbf16>
    %slice3A_529 = vector.extract_strided_slice %max3A_528 {offsets = [0, 0], sizes = [128, 256], strides = [1, 1]} : vector<128x512xbf16> to vector<128x256xbf16>
    %slice3A_530 = vector.extract_strided_slice %max3A_528 {offsets = [0, 256], sizes = [128, 256], strides = [1, 1]} : vector<128x512xbf16> to vector<128x256xbf16>
    %max3A_531 = arith.maximumf %slice3A_529, %slice3A_530 : vector<128x256xbf16>
    %slice3A_532 = vector.extract_strided_slice %max3A_531 {offsets = [0, 0], sizes = [128, 128], strides = [1, 1]} : vector<128x256xbf16> to vector<128x128xbf16>
    %slice3A_533 = vector.extract_strided_slice %max3A_531 {offsets = [0, 128], sizes = [128, 128], strides = [1, 1]} : vector<128x256xbf16> to vector<128x128xbf16>
    %max3A_534 = arith.maximumf %slice3A_532, %slice3A_533 : vector<128x128xbf16>
    %get3A_535 = arith.constant 19 : index
    %get3A_536 = arith.constant 0 : index
    %get3A_537 = arith.constant 0 : index
    %get3A_538 = vector.load %arg5[%get3A_535, %get3A_536, %get3A_537] : memref<23x128x128xbf16, #tpu.memory_space<vmem>>, vector<1x128x128xbf16>
    %get3A_539 = vector.shape_cast %get3A_538 : vector<1x128x128xbf16> to vector<128x128xbf16>
    %max3A_540 = arith.maximumf %get3A_539, %max3A_534 : vector<128x128xbf16>
    %swap3A_541 = arith.constant 19 : index
    %swap3A_542 = arith.constant 0 : index
    %swap3A_543 = arith.constant 0 : index
    %swap3A_544 = vector.load %arg5[%swap3A_541, %swap3A_542, %swap3A_543] : memref<23x128x128xbf16, #tpu.memory_space<vmem>>, vector<1x128x128xbf16>
    %swap3A_545 = vector.shape_cast %swap3A_544 : vector<1x128x128xbf16> to vector<128x128xbf16>
    %swap3A_546 = vector.shape_cast %max3A_540 : vector<128x128xbf16> to vector<1x128x128xbf16>
    tpu.vector_store %arg5[%swap3A_541, %swap3A_542, %swap3A_543], %swap3A_546 {strides = array<i32>} : memref<23x128x128xbf16, #tpu.memory_space<vmem>>, vector<1x128x128xbf16>,
    %slice3A_547 = vector.extract_strided_slice %convert_element_type3A_12 {offsets = [20, 0], sizes = [1, 1024], strides = [1, 1]} : vector<23x1024xbf16> to vector<1x1024xbf16>
    %squeeze3A_548 = vector.shape_cast %slice3A_547 : vector<1x1024xbf16> to vector<1024xbf16>
    %broadcast_in_dim3A_549 = vector.shape_cast %squeeze3A_548 : vector<1024xbf16> to vector<1x1024xbf16>
    %broadcast_in_dim3A_550 = vector.shape_cast %broadcast_in_dim3A_549 : vector<1x1024xbf16> to vector<1x1024xbf16>
    %broadcast_in_dim3A_551 = vector.broadcast %broadcast_in_dim3A_550 : vector<1x1024xbf16> to vector<128x1024xbf16>
    %add3A_552 = arith.addf %convert_element_type3A_6, %broadcast_in_dim3A_551 : vector<128x1024xbf16>
    %slice3A_553 = vector.extract_strided_slice %add3A_552 {offsets = [0, 0], sizes = [128, 512], strides = [1, 1]} : vector<128x1024xbf16> to vector<128x512xbf16>
    %slice3A_554 = vector.extract_strided_slice %add3A_552 {offsets = [0, 512], sizes = [128, 512], strides = [1, 1]} : vector<128x1024xbf16> to vector<128x512xbf16>
    %max3A_555 = arith.maximumf %slice3A_553, %slice3A_554 : vector<128x512xbf16>
    %slice3A_556 = vector.extract_strided_slice %max3A_555 {offsets = [0, 0], sizes = [128, 256], strides = [1, 1]} : vector<128x512xbf16> to vector<128x256xbf16>
    %slice3A_557 = vector.extract_strided_slice %max3A_555 {offsets = [0, 256], sizes = [128, 256], strides = [1, 1]} : vector<128x512xbf16> to vector<128x256xbf16>
    %max3A_558 = arith.maximumf %slice3A_556, %slice3A_557 : vector<128x256xbf16>
    %slice3A_559 = vector.extract_strided_slice %max3A_558 {offsets = [0, 0], sizes = [128, 128], strides = [1, 1]} : vector<128x256xbf16> to vector<128x128xbf16>
    %slice3A_560 = vector.extract_strided_slice %max3A_558 {offsets = [0, 128], sizes = [128, 128], strides = [1, 1]} : vector<128x256xbf16> to vector<128x128xbf16>
    %max3A_561 = arith.maximumf %slice3A_559, %slice3A_560 : vector<128x128xbf16>
    %get3A_562 = arith.constant 20 : index
    %get3A_563 = arith.constant 0 : index
    %get3A_564 = arith.constant 0 : index
    %get3A_565 = vector.load %arg5[%get3A_562, %get3A_563, %get3A_564] : memref<23x128x128xbf16, #tpu.memory_space<vmem>>, vector<1x128x128xbf16>
    %get3A_566 = vector.shape_cast %get3A_565 : vector<1x128x128xbf16> to vector<128x128xbf16>
    %max3A_567 = arith.maximumf %get3A_566, %max3A_561 : vector<128x128xbf16>
    %swap3A_568 = arith.constant 20 : index
    %swap3A_569 = arith.constant 0 : index
    %swap3A_570 = arith.constant 0 : index
    %swap3A_571 = vector.load %arg5[%swap3A_568, %swap3A_569, %swap3A_570] : memref<23x128x128xbf16, #tpu.memory_space<vmem>>, vector<1x128x128xbf16>
    %swap3A_572 = vector.shape_cast %swap3A_571 : vector<1x128x128xbf16> to vector<128x128xbf16>
    %swap3A_573 = vector.shape_cast %max3A_567 : vector<128x128xbf16> to vector<1x128x128xbf16>
    tpu.vector_store %arg5[%swap3A_568, %swap3A_569, %swap3A_570], %swap3A_573 {strides = array<i32>} : memref<23x128x128xbf16, #tpu.memory_space<vmem>>, vector<1x128x128xbf16>,
    %slice3A_574 = vector.extract_strided_slice %convert_element_type3A_12 {offsets = [21, 0], sizes = [1, 1024], strides = [1, 1]} : vector<23x1024xbf16> to vector<1x1024xbf16>
    %squeeze3A_575 = vector.shape_cast %slice3A_574 : vector<1x1024xbf16> to vector<1024xbf16>
    %broadcast_in_dim3A_576 = vector.shape_cast %squeeze3A_575 : vector<1024xbf16> to vector<1x1024xbf16>
    %broadcast_in_dim3A_577 = vector.shape_cast %broadcast_in_dim3A_576 : vector<1x1024xbf16> to vector<1x1024xbf16>
    %broadcast_in_dim3A_578 = vector.broadcast %broadcast_in_dim3A_577 : vector<1x1024xbf16> to vector<128x1024xbf16>
    %add3A_579 = arith.addf %convert_element_type3A_6, %broadcast_in_dim3A_578 : vector<128x1024xbf16>
    %slice3A_580 = vector.extract_strided_slice %add3A_579 {offsets = [0, 0], sizes = [128, 512], strides = [1, 1]} : vector<128x1024xbf16> to vector<128x512xbf16>
    %slice3A_581 = vector.extract_strided_slice %add3A_579 {offsets = [0, 512], sizes = [128, 512], strides = [1, 1]} : vector<128x1024xbf16> to vector<128x512xbf16>
    %max3A_582 = arith.maximumf %slice3A_580, %slice3A_581 : vector<128x512xbf16>
    %slice3A_583 = vector.extract_strided_slice %max3A_582 {offsets = [0, 0], sizes = [128, 256], strides = [1, 1]} : vector<128x512xbf16> to vector<128x256xbf16>
    %slice3A_584 = vector.extract_strided_slice %max3A_582 {offsets = [0, 256], sizes = [128, 256], strides = [1, 1]} : vector<128x512xbf16> to vector<128x256xbf16>
    %max3A_585 = arith.maximumf %slice3A_583, %slice3A_584 : vector<128x256xbf16>
    %slice3A_586 = vector.extract_strided_slice %max3A_585 {offsets = [0, 0], sizes = [128, 128], strides = [1, 1]} : vector<128x256xbf16> to vector<128x128xbf16>
    %slice3A_587 = vector.extract_strided_slice %max3A_585 {offsets = [0, 128], sizes = [128, 128], strides = [1, 1]} : vector<128x256xbf16> to vector<128x128xbf16>
    %max3A_588 = arith.maximumf %slice3A_586, %slice3A_587 : vector<128x128xbf16>
    %get3A_589 = arith.constant 21 : index
    %get3A_590 = arith.constant 0 : index
    %get3A_591 = arith.constant 0 : index
    %get3A_592 = vector.load %arg5[%get3A_589, %get3A_590, %get3A_591] : memref<23x128x128xbf16, #tpu.memory_space<vmem>>, vector<1x128x128xbf16>
    %get3A_593 = vector.shape_cast %get3A_592 : vector<1x128x128xbf16> to vector<128x128xbf16>
    %max3A_594 = arith.maximumf %get3A_593, %max3A_588 : vector<128x128xbf16>
    %swap3A_595 = arith.constant 21 : index
    %swap3A_596 = arith.constant 0 : index
    %swap3A_597 = arith.constant 0 : index
    %swap3A_598 = vector.load %arg5[%swap3A_595, %swap3A_596, %swap3A_597] : memref<23x128x128xbf16, #tpu.memory_space<vmem>>, vector<1x128x128xbf16>
    %swap3A_599 = vector.shape_cast %swap3A_598 : vector<1x128x128xbf16> to vector<128x128xbf16>
    %swap3A_600 = vector.shape_cast %max3A_594 : vector<128x128xbf16> to vector<1x128x128xbf16>
    tpu.vector_store %arg5[%swap3A_595, %swap3A_596, %swap3A_597], %swap3A_600 {strides = array<i32>} : memref<23x128x128xbf16, #tpu.memory_space<vmem>>, vector<1x128x128xbf16>,
    %slice3A_601 = vector.extract_strided_slice %convert_element_type3A_12 {offsets = [22, 0], sizes = [1, 1024], strides = [1, 1]} : vector<23x1024xbf16> to vector<1x1024xbf16>
    %squeeze3A_602 = vector.shape_cast %slice3A_601 : vector<1x1024xbf16> to vector<1024xbf16>
    %broadcast_in_dim3A_603 = vector.shape_cast %squeeze3A_602 : vector<1024xbf16> to vector<1x1024xbf16>
    %broadcast_in_dim3A_604 = vector.shape_cast %broadcast_in_dim3A_603 : vector<1x1024xbf16> to vector<1x1024xbf16>
    %broadcast_in_dim3A_605 = vector.broadcast %broadcast_in_dim3A_604 : vector<1x1024xbf16> to vector<128x1024xbf16>
    %add3A_606 = arith.addf %convert_element_type3A_6, %broadcast_in_dim3A_605 : vector<128x1024xbf16>
    %slice3A_607 = vector.extract_strided_slice %add3A_606 {offsets = [0, 0], sizes = [128, 512], strides = [1, 1]} : vector<128x1024xbf16> to vector<128x512xbf16>
    %slice3A_608 = vector.extract_strided_slice %add3A_606 {offsets = [0, 512], sizes = [128, 512], strides = [1, 1]} : vector<128x1024xbf16> to vector<128x512xbf16>
    %max3A_609 = arith.maximumf %slice3A_607, %slice3A_608 : vector<128x512xbf16>
    %slice3A_610 = vector.extract_strided_slice %max3A_609 {offsets = [0, 0], sizes = [128, 256], strides = [1, 1]} : vector<128x512xbf16> to vector<128x256xbf16>
    %slice3A_611 = vector.extract_strided_slice %max3A_609 {offsets = [0, 256], sizes = [128, 256], strides = [1, 1]} : vector<128x512xbf16> to vector<128x256xbf16>
    %max3A_612 = arith.maximumf %slice3A_610, %slice3A_611 : vector<128x256xbf16>
    %slice3A_613 = vector.extract_strided_slice %max3A_612 {offsets = [0, 0], sizes = [128, 128], strides = [1, 1]} : vector<128x256xbf16> to vector<128x128xbf16>
    %slice3A_614 = vector.extract_strided_slice %max3A_612 {offsets = [0, 128], sizes = [128, 128], strides = [1, 1]} : vector<128x256xbf16> to vector<128x128xbf16>
    %max3A_615 = arith.maximumf %slice3A_613, %slice3A_614 : vector<128x128xbf16>
    %get3A_616 = arith.constant 22 : index
    %get3A_617 = arith.constant 0 : index
    %get3A_618 = arith.constant 0 : index
    %get3A_619 = vector.load %arg5[%get3A_616, %get3A_617, %get3A_618] : memref<23x128x128xbf16, #tpu.memory_space<vmem>>, vector<1x128x128xbf16>
    %get3A_620 = vector.shape_cast %get3A_619 : vector<1x128x128xbf16> to vector<128x128xbf16>
    %max3A_621 = arith.maximumf %get3A_620, %max3A_615 : vector<128x128xbf16>
    %swap3A_622 = arith.constant 22 : index
    %swap3A_623 = arith.constant 0 : index
    %swap3A_624 = arith.constant 0 : index
    %swap3A_625 = vector.load %arg5[%swap3A_622, %swap3A_623, %swap3A_624] : memref<23x128x128xbf16, #tpu.memory_space<vmem>>, vector<1x128x128xbf16>
    %swap3A_626 = vector.shape_cast %swap3A_625 : vector<1x128x128xbf16> to vector<128x128xbf16>
    %swap3A_627 = vector.shape_cast %max3A_621 : vector<128x128xbf16> to vector<1x128x128xbf16>
    tpu.vector_store %arg5[%swap3A_622, %swap3A_623, %swap3A_624], %swap3A_627 {strides = array<i32>} : memref<23x128x128xbf16, #tpu.memory_space<vmem>>, vector<1x128x128xbf16>,
    %eq3A_628 = arith.constant 15 : i32
    %eq3A_629 = arith.cmpi eq, %arg1, %eq3A_628 : i32
    %convert_element_type3A_630 = arith.extui %eq3A_629 : i1 to i32
    %cond3A_631 = arith.constant 0 : i32
    %cond3A_632 = arith.cmpi ne, %convert_element_type3A_630, %cond3A_631 : i32
    scf.if %cond3A_632 {
      %get3A_633 = arith.constant 0 : index
      %get3A_634 = arith.constant 0 : index
      %get3A_635 = arith.constant 0 : index
      %get3A_636 = vector.load %arg5[%get3A_633, %get3A_634, %get3A_635] : memref<23x128x128xbf16, #tpu.memory_space<vmem>>, vector<23x128x128xbf16>
      %reduce_max3A = arith.constant dense<0xFF80> : vector<23x128xbf16>
      %reduce_max3A_637 = vector.multi_reduction <maximumf>, %get3A_636, %reduce_max3A [2] : vector<23x128x128xbf16> to vector<23x128xbf16>
      %convert_element_type3A_638 = arith.extf %reduce_max3A_637 : vector<23x128xbf16> to vector<23x128xf32>
      %swap3A_639 = arith.constant 0 : index
      %swap3A_640 = arith.constant 0 : index
      %swap3A_641 = arith.constant 0 : index
      %swap3A_642 = vector.load %arg4[%swap3A_639, %swap3A_640, %swap3A_641] : memref<1x23x128xf32, #tpu.memory_space<vmem>>, vector<1x23x128xf32>
      %swap3A_643 = vector.shape_cast %swap3A_642 : vector<1x23x128xf32> to vector<23x128xf32>
      %swap3A_644 = vector.shape_cast %convert_element_type3A_638 : vector<23x128xf32> to vector<1x23x128xf32>
      tpu.vector_store %arg4[%swap3A_639, %swap3A_640, %swap3A_641], %swap3A_644 {strides = array<i32>} : memref<1x23x128xf32, #tpu.memory_space<vmem>>, vector<1x23x128xf32>,
    } else {
    }
    return
  }
  func.func @transform_0(%arg0: i32, %arg1: i32) -> (i32, i32, i32) {
    %c0_i32 = arith.constant 0 : i32
    %c0_i32_0 = arith.constant 0 : i32
    return %arg0, %c0_i32, %arg1 : i32, i32, i32
  }
  func.func @transform_1(%arg0: i32, %arg1: i32) -> (i32, i32, i32) {
    %c0_i32 = arith.constant 0 : i32
    %c0_i32_0 = arith.constant 0 : i32
    return %arg0, %c0_i32, %arg1 : i32, i32, i32
  }
  func.func @transform_2(%arg0: i32, %arg1: i32) -> (i32, i32, i32) {
    %c0_i32 = arith.constant 0 : i32
    %c0_i32_0 = arith.constant 0 : i32
    %c0_i32_1 = arith.constant 0 : i32
    return %arg0, %c0_i32, %c0_i32_0 : i32, i32, i32
  }
}

</mosaic_0001>

<sc_bundles>
// kernel: kernel.4.cloned.1.call-start
scs
__scs_entry_jumppad:
0x0: {  	(pc) =	sbr.rel $0x88, $3  }
0x1: {  	(tag) =	ssettag $0x0;
	lr =	simm.s32 $0x1  }
0x2: {  	[smem:$0x3F9F] =	sst lr;
	_ =	strace $0xD0000000  }
0x3: {  	_ = 	snop  }
0x4: {  	_ = 	snop  }
0x5: {  	_ = 	snop  }
0x6: {  	_ = 	snop  }
0x7: {  	_ = 	snop  }
__scs_overlays_trampoline_lowered:
0x8: {  	[smem:$0x3FAE] =	sst s0  }
0x9: {  	[smem:$0x3FAF] =	sst s1  }
0xa: {  	[smem:$0x3FB0] =	sst s2  }
0xb: {  	[smem:$0x3FB1] =	sst s3  }
0xc: {  	[smem:$0x3FB2] =	sst s4  }
0xd: {  	[smem:$0x3FB3] =	sst s5  }
0xe: {  	[smem:$0x3FB4] =	sst s6  }
0xf: {  	[smem:$0x3FB5] =	sst s7  }
0x10: {  	[smem:$0x3FB6] =	sst s8  }
0x11: {  	[smem:$0x3FB7] =	sst s9;
	s0 =	simm.s32 @!p0 $0x0  }
0x12: {  	s1 =	sld [smem:$0x3F9D];
	s0 =	simm.s32 @p0 $0x1  }
0x13: {  	[smem:$0x3FB8] =	sst s0;
	s0 =	simm.s32 @!p1 $0x0  }
0x14: {  	s2 =	sld [smem:$0x3F9C];
	s0 =	simm.s32 @p1 $0x1  }
0x15: {  	[smem:$0x3FB9] =	sst s0;
	s0 =	simm.s32 @!p2 $0x0  }
0x16: {  	s3 =	sld [smem:$0x3FDB];
	s0 =	simm.s32 @p2 $0x1  }
0x17: {  	s4 =	simm.s32 $0x1BF5;
	[smem:$0x3FBB] =	sst s0  }
0x18: {  	s0 =	sld [smem:$0x3F9E];
	_ =	swait.ge [sflag:s4], $0x0  }
0x19: {  	s7 =	sld [smem:$0x3F9F]  }
0x1a: {  	s8 =	sadd.s32 $0xFFFFE003, lr  }
0x1b: {  	s9 =	sadd.s32 $0xFFFFFEF7, lr;
	s5 =	simm.s32 $0xFFFFFFFF;
	p2 =	slt.u32 s8, $0xFFFFF086  }
0x1c: {  	p1 =	slt.u32 s9, $0xF7A;
	s5 =	simm.s32 @!p2 $0x0  }
0x1d: {  	s5 =	simm.s32 @p1 $0x1;
	p0 =	seq.s32 s7, s2  }
0x1e: {  	s7 =	smul.u32 @!p0 $0xF7A, s2;
	p2 =	seq.s32 @!p0 s5, $0x0  }
0x1f: {  	s9 =	smul.u32 $0xF7A, s1;
	s8 =	simm.s32 @!p0 $0x1BF5;
	p2 =	por !p2, p0  }
0x20: {  	[sflag:s8] =	ssyncset.s32 @!p0 $0xFFFFF086;
	s6 =	sadd.s32 @!p0 s3, s7;
	s7 =	simm.s32 @!p0 $0x108  }
0x21: {  	s3 =	sadd.s32 s3, s9;
	s6 =	sadd.s32 @!p0 $0x88, s6;
	s7 =	simm.s32 @p2 $0x1082  }
0x22: {  	[simem:s7], [sflag:s8] =	dma.local @!p0 [hbm:s6], $0xF7A  }
0x23: {  	s9 =	sor.u32 $0xD0000000, s2;
	s6 =	simm.s32 $0x108;
	_ =	swait.ge @!p0 [sflag:s8], $0x0  }
0x24: {  	s3 =	sadd.s32 $0x88, s3;
	s6 =	simm.s32 @!p1 $0x1082;
	[sflag:s4] =	ssyncset.s32 $0xFFFFF086  }
0x25: {  	[simem:s6], [sflag:s4] =	dma.local [hbm:s3], $0xF7A  }
0x26: {  	[smem:$0x3F9F] =	sst s1;
	(tag) =	ssettag s2;
	_ =	strace s9  }
0x27: {  	s1 =	sld [smem:$0x3FAF]  }
0x28: {  	s2 =	sld [smem:$0x3FB0]  }
0x29: {  	s4 =	sld [smem:$0x3FB2]  }
0x2a: {  	p0 =	seq.s32 s5, $0x0;
	s5 =	sld [smem:$0x3FB3]  }
0x2b: {  	s6 =	sld [smem:$0x3FB4]  }
0x2c: {  	s7 =	sld [smem:$0x3FB5]  }
0x2d: {  	s3 =	simm.s32 $0x108;
	s8 =	sld [smem:$0x3FB6]  }
0x2e: {  	s3 =	simm.s32 @!p0 $0x1082;
	s9 =	sld [smem:$0x3FB7]  }
0x2f: {  	lr =	sadd.s32 s0, s3;
	s0 =	sld [smem:$0x3FAE]  }
0x30: {  	s3 =	sld [smem:$0x3FB1]  }
0x31: {  	[smem:$0x3FBA] =	sst s10  }
0x32: {  	s10 =	sld [smem:$0x3FB8];
	_ =	sdelay $0x3  }
0x33: {  	p0 =	seq.s32 s10, $0x1;
	s10 =	sld [smem:$0x3FBA];
	_ =	sdelay $0x3  }
0x34: {  	[smem:$0x3FBA] =	sst s10  }
0x35: {  	s10 =	sld [smem:$0x3FB9];
	_ =	sdelay $0x3  }
0x36: {  	p1 =	seq.s32 s10, $0x1;
	s10 =	sld [smem:$0x3FBA];
	_ =	sdelay $0x3  }
0x37: {  	[smem:$0x3FBA] =	sst s10  }
0x38: {  	s10 =	sld [smem:$0x3FBB]  }
0x39: {  	_ = 	snop;
	(pc) =	sbr.ind lr, $3  }
0x3a: {  	_ = 	snop  }
0x3b: {  	_ = 	snop  }
0x3c: {  	p2 =	seq.s32 s10, $0x1;
	s10 =	sld [smem:$0x3FBA]  }
0x3d: {  	_ =	shalt  }
0x3e: {  	_ =	shalt  }
0x3f: {  	_ =	shalt  }
0x40: {  	_ =	shalt  }
0x41: {  	_ =	shalt  }
0x42: {  	_ =	shalt  }
0x43: {  	_ =	shalt  }
0x44: {  	_ =	shalt  }
0x45: {  	_ =	shalt  }
0x46: {  	_ =	shalt  }
0x47: {  	_ =	shalt  }
0x48: {  	_ =	shalt  }
0x49: {  	_ =	shalt  }
0x4a: {  	_ =	shalt  }
0x4b: {  	_ =	shalt  }
0x4c: {  	_ =	shalt  }
0x4d: {  	_ =	shalt  }
0x4e: {  	_ =	shalt  }
0x4f: {  	_ =	shalt  }
0x50: {  	_ =	shalt  }
0x51: {  	_ =	shalt  }
0x52: {  	_ =	shalt  }
0x53: {  	_ =	shalt  }
0x54: {  	_ =	shalt  }
0x55: {  	_ =	shalt  }
0x56: {  	_ =	shalt  }
0x57: {  	_ =	shalt  }
0x58: {  	_ =	shalt  }
0x59: {  	_ =	shalt  }
0x5a: {  	_ =	shalt  }
0x5b: {  	_ =	shalt  }
0x5c: {  	_ =	shalt  }
0x5d: {  	_ =	shalt  }
0x5e: {  	_ =	shalt  }
0x5f: {  	_ =	shalt  }
0x60: {  	_ =	shalt  }
0x61: {  	_ =	shalt  }
0x62: {  	_ =	shalt  }
0x63: {  	_ =	shalt  }
0x64: {  	_ =	shalt  }
0x65: {  	_ =	shalt  }
0x66: {  	_ =	shalt  }
0x67: {  	_ =	shalt  }
0x68: {  	_ =	shalt  }
0x69: {  	_ =	shalt  }
0x6a: {  	_ =	shalt  }
0x6b: {  	_ =	shalt  }
0x6c: {  	_ =	shalt  }
0x6d: {  	_ =	shalt  }
0x6e: {  	_ =	shalt  }
0x6f: {  	_ =	shalt  }
0x70: {  	_ =	shalt  }
0x71: {  	_ =	shalt  }
0x72: {  	_ =	shalt  }
0x73: {  	_ =	shalt  }
0x74: {  	_ =	shalt  }
0x75: {  	_ =	shalt  }
0x76: {  	_ =	shalt  }
0x77: {  	_ =	shalt  }
0x78: {  	_ =	shalt  }
0x79: {  	_ =	shalt  }
0x7a: {  	_ =	shalt  }
0x7b: {  	_ =	shalt  }
0x7c: {  	_ =	shalt  }
0x7d: {  	_ =	shalt  }
0x7e: {  	_ =	shalt  }
0x7f: {  	_ =	shalt  }
0x80: {  	_ =	shalt  }
0x81: {  	_ =	shalt  }
0x82: {  	_ =	shalt  }
0x83: {  	_ =	shalt  }
0x84: {  	_ =	shalt  }
0x85: {  	_ =	shalt  }
0x86: {  	_ =	shalt  }
0x87: {  	_ =	shalt  }
.Lfunc_end0:
.L_simem_size_0:
called_computation_lowered:
.L_overlay_start_0:
0x88: {  	s2 =	sld [smem:$0x3FD9]  }
0x89: {  	s3 =	sld [smem:$0x3FFE];
	_ =	sdelay $0x1  }
0x8a: {  	s1 =	srdreg.scid  }
0x8b: {  	s0 =	sand.u32 $0x1, s1  }
0x8c: {  	s16 =	sshll.u32 s0, $0xA;
	s2 =	sadd.s32 s3, s2  }
0x8d: {  	s2 =	sadd.s32 s2, s16  }
0x8e: {  	[smem:$0x3FC6] =	sst s2  }
0x8f: {  	_ = 	snop  }
0x90: {  	(tm) =	ssettm $0x1  }
0x91: {  	s17 =	sld [smem:$0x3FFB];
	_ =	sdelay $0x3  }
0x92: {  	_ =	strace s17  }
0x93: {  	s2 =	sld [smem:$0x3FFC];
	_ =	sdelay $0x3  }
0x94: {  	_ =	strace s2  }
0x95: {  	s2 =	sld [smem:$0x3FFD];
	_ =	sdelay $0x3  }
0x96: {  	_ =	strace s2  }
0x97: {  	_ =	strace $0x8FFFFFFF  }
0x98: {  	s18 =	sld [smem:$0x3FDB];
	_ =	sdelay $0x1  }
0x99: {  	s19 =	simm.s32 $_scs_section_size  }
0x9a: {  	s4 =	simm.s32 $_size__tile_overlayer_lowered;
	s5 =	simm.s32 $_tile_overlayer_lowered  }
0x9b: {  	s22 =	simm.s32 $0x1BFF;
	s21 =	sshll.u32 s5, $0x1;
	s2 =	sadd.s32 s19, s18  }
0x9c: {  	s6 =	simm.s32 $0x0;
	s20 =	sshll.u32 s4, $0x1;
	s4 =	sadd.s32 s21, s2  }
0x9d: {  	[timem:s6], [sflag:s22] =	dma.local [hbm:s4], s20  }
0x9e: {  	_ =	swait.ge [sflag:s22], s20  }
0x9f: {  	s3 =	ssub.s32 $0x0, s20;
	[sflag:s22] =	ssyncset.done $0x0  }
0xa0: {  	[sflag:s22] =	ssyncadd.s32 s3;
	_ =	sdelay $0x1  }
0xa1: {  	s23 =	simm.s32 $0x1B8B  }
0xa2: {  	_ =	swait.ge [sflag:s23], $0x1  }
0xa3: {  	[sflag:s23] =	ssyncset.done $0x0  }
0xa4: {  	s25 =	simm.s32 $0x1B8E;
	s24 =	sld [smem:$0x3FFE];
	[sflag:s23] =	ssyncadd.s32 $0xFFFFFFFF  }
0xa5: {  	s26 =	simm.s32 $execute0_lowered;
	[smem:$0x3FD2] =	sst s25  }
0xa6: {  	s4 =	sshll.u32 s26, $0x1;
	_ =	strace $0x80000046;
	[dreg:$0x1] =	wrdreg $0xFFFFFFFF  }
0xa7: {  	s28 =	simm.s32 $_size_execute0_lowered;
	s2 =	sadd.s32 s2, s4;
	[dreg:$0x0] =	wrdreg $0x0  }
0xa8: {  	s4 =	sshll.u32 s28, $0x1;
	[dreg:$0x2] =	wrdreg s2  }
0xa9: {  	[dreg:$0x3] =	wrdreg s4  }
0xaa: {  	[dreg:$0x4] =	wrdreg $0xC0  }
0xab: {  	_ =	task [dreg:s6], $0x5FFFF  }
0xac: {  	[dreg:$0x1] =	wrdreg $0xFFFFFFFF  }
0xad: {  	[dreg:$0x0] =	wrdreg $0x60  }
0xae: {  	[dreg:$0x2] =	wrdreg s24  }
0xaf: {  	[dreg:$0x3] =	wrdreg $0x9  }
0xb0: {  	_ =	task.clear_ibuf [dreg:s6], $0x4FFFF;
	_ =	strace $0x90000046  }
0xb1: {  	s29 =	simm.s32 $0x9;
	_ =	strace $0x80000048  }
0xb2: {  	_ =	swait.ge [sflag:s29], $0x1  }
0xb3: {  	[sflag:s29] =	ssyncadd.s32 $0xFFFFFFFF  }
0xb4: {  	_ =	strace $0x90000048  }
0xb5: {  	_ =	sfence  }
0xb6: {  	s30 =	sld [smem:$0x0];
	_ =	sdelay $0x2  }
0xb7: {  	s31 =	sshll.u32 s1, $0xD;
	s1 =	sshrl.u32 s1, $0x2  }
0xb8: {  	s3 =	sand.u32 $0x4000, s31;
	s1 =	sadd.s32 s1, s30  }
0xb9: {  	s0 =	sor.u32 s3, s0;
	s1 =	sshll.u32 s1, $0x11  }
0xba: {  	s0 =	sor.u32 s1, s0  }
0xbb: {  	s0 =	sadd.s32 $0x8F2B, s0  }
0xbc: {  	[sflag:s0] =	ssyncadd.remote.s32 $0x1  }
0xbd: {  	_ =	sfence.sel $0xFFFF  }
0xbe: {  	[dreg:$0x0] =	wrdreg $0xFFFFFFFF;
	(pc) =	sbr.abs _section_cstart, $3  }
0xbf: {  	[dreg:$0x1] =	wrdreg $0xFFFFFFFF  }
0xc0: {  	_ =	task.clear_ibuf [dreg:s6], $0x2FFFF;
	_ =	strace $0x9FFFFFFF  }
0xc1: {  	(tm) =	ssettm $0x7FFFFFFF  }
tec
execute0_lowered:
.L_overlay_start_1:
0x0: {  	(tag) =	ssettag $0x1  }
0x1: {  	s1 =	srdreg.scid;
	s0 =	stileid.u32  }
0x2: {  	s5 =	sand.u32 $0x1, s1;
	s21 =	sshll.u32 s0, $0x1  }
0x3: {  	s1 =	sor.u32 s5, s21  }
0x4: {  	s6 =	sor.u32 $0xA0, s1  }
0x5: {  	s2 =	smul.u32 $0x65, s6;
	_ =	sdelay $0x1  }
0x6: {  	s2 =	sshrl.u32 s2, $0x8  }
0x7: {  	s3 =	ssub.s32 s6, s2  }
0x8: {  	s3 =	sand.u32 $0xFE, s3  }
0x9: {  	s3 =	sshrl.u32 s3, $0x1  }
0xa: {  	s2 =	sadd.s32 s2, s3  }
0xb: {  	s7 =	rddreg [dreg:$0x0];
	s11 =	simm.s32 $0x1;
	s2 =	sand.u32 $0xF0, s2  }
0xc: {  	s12 =	simm.s32 $0x4000;
	p0 =	sgt.u32 s0, $0xB;
	s4 =	sshrl.u32 s2, $0x4  }
0xd: {  	s26 =	ssub.s32 $0x2, s5;
	s9 =	sshll.u32 s1, $0x4;
	s8 =	smul.u32 $0x17, s4  }
0xe: {  	s29 =	sshrl.u32 s26, $0x1;
	s23 =	sand.u32 $0x70, s9;
	s3 =	simm.s32 $0x0  }
0xf: {  	s9 =	ssub.s32 s26, s29;
	[smem:$0x7FF] =	sst s3;
	s8 =	ssub.s32 s6, s8  }
0x10: {  	s2 =	rddreg [dreg:$0x1];
	s10 =	smul.u32 $0x18, s4;
	s22 =	sadd.s32 $0x1, s8  }
0x11: {  	_ =	strace $0x80000047;
	s4 =	sadd.s32 $0x400, s7;
	s24 =	sand.u32 $0xFF, s22  }
.Ltmp0:
0x12: {  	s7 =	sadd.s32 s23, s7;
	s25 =	sadd.s32 s24, s10;
	(pc) =	sbr.rel .LBB2_1-.Ltmp0, $4  }
0x13: {  	s6 =	sshll.u32 s6, $0xB;
	s28 =	sshll.u32 s25, $0xB;
	s8 =	sshll.u32 s25, $0x4  }
0x14: {  	s5 =	sadd.s32 $0x60400, s7;
	s31 =	sand.u32 $0x5C000, s6;
	s8 =	sor.u32 s8, s28  }
0x15: {  	s7 =	sadd.s32 s31, s5;
	s10 =	simm.s32 $0x400;
	s30 =	sand.u32 $0x1FC070, s8  }
0x16: {  	v0 =	vimm.f32 $-Inf;
	s8 =	smax.u32 s9, $0x1;
	s9 =	simm.s32 $0x80;
	s6 =	sadd.s32 s4, s30  }
.LBB2_9:
0x17: {  	s3 =	sadd.s32 $0x1, s3  }
0x18: {  	p1 =	sne.s32 s3, s8  }
.Ltmp1:
0x19: {  	_ = 	snop;
	(pc) =	sbr.rel @!p1 .LBB2_10-.Ltmp1, $1  }
0x1a: {  	_ =	sdelay $0x3  }
.LBB2_1:
0x1b: {  	s13 =	simm.s32 $0x0  }
.LBB2_2:
0x1c: {  	s14 =	sshll.u32 s13, $0x5  }
0x1d: {  	s14 =	sor.u32 s1, s14  }
0x1e: {  	s15 =	smulhi.u32 $0xB21642C9, s14;
	_ =	sdelay $0x1  }
0x1f: {  	s15 =	sshrl.u32 s15, $0x4  }
0x20: {  	s16 =	smul.u32 $0x17, s15;
	_ =	sdelay $0x1  }
0x21: {  	s15 =	smul.u32 $0x18, s15;
	s16 =	ssub.s32 s14, s16  }
0x22: {  	s16 =	sadd.s32 $0x1, s16  }
0x23: {  	s15 =	sadd.s32 s15, s16  }
0x24: {  	s16 =	sshll.u32 s16, $0x7;
	s15 =	sshll.u32 s15, $0xE  }
0x25: {  	s15 =	sor.u32 s16, s15  }
0x26: {  	s15 =	sand.u32 $0xFFFE0380, s15  }
0x27: {  	s15 =	sshrl.u32 s15, $0x3  }
0x28: {  	s31 =	simm.s32 $0x0;
	s15 =	sadd.s32 s4, s15  }
0x29: {  	[tilespmem:s31], [sflag:$0x1] =	stream.strided.gather [hbm4b:s15+s9], $0x4000, s10, s9, $0x38;
	[tilespmem:$0x8000] =	vst v63  }
0x2a: {  	_ =	swait.ge [sflag:s11], $0x4000  }
0x2b: {  	[sflag:s11] =	ssyncset.done $0x0  }
0x2c: {  	s15 =	simm.s32 $0x0;
	[sflag:s11] =	ssyncadd.s32 $0xFFFFC000  }
0x2d: {  	v1 =	vld [tilespmem:s15+$0x0]  }
0x2e: {  	s16 =	simm.s32 $0x40  }
.LBB2_3:
0x2f: {  	p1 =	sne.s32 s16, $0xFFC0  }
.Ltmp2:
0x30: {  	_ = 	snop;
	(pc) =	sbr.rel @p1 .LBB2_3-.Ltmp2, $4  }
0x31: {  	_ = 	snop  }
0x32: {  	s17 =	sshra.s32 s16, $0x2;
	s16 =	sadd.s32 $0x40, s16;
	vm0 =	vgt.s32 v1, $0x0  }
0x33: {  	v1 =	vld [tilespmem:s17+$0x0];
	v2 =	vsel vm0, $0x0, v0  }
0x34: {  	[tilespmem:s15+$0x4000] =	vst v2;
	s15 =	smov.u32 s17  }
0x35: {  	_ =	sdelay $0x2  }
0x36: {  	s14 =	sshll.u32 s14, $0xB;
	s13 =	sadd.s32 $0x1, s13;
	vm0 =	vgt.s32 v1, $0x0  }
0x37: {  	s14 =	sand.u32 $0x7C000, s14;
	p1 =	sne.s32 s13, $0x5;
	v1 =	vsel vm0, $0x0, v0  }
.Ltmp3:
0x38: {  	s14 =	sadd.s32 s14, s5;
	[tilespmem:s15+$0x4000] =	vst v1;
	(pc) =	sbr.rel @p1 .LBB2_2-.Ltmp3, $4  }
0x39: {  	[hbm4b:s14+s9] =	stream.strided.scatter [tilespmem:s12], [sflag:$0x1], $0x4000, s10, s9, $0x38;
	[tilespmem:$0x8000] =	vst v63  }
0x3a: {  	_ =	swait.ge [sflag:s11], $0x4000  }
0x3b: {  	[sflag:s11] =	ssyncset.done $0x0  }
0x3c: {  	[sflag:s11] =	ssyncadd.s32 $0xFFFFC000  }
.Ltmp4:
0x3d: {  	(pc) =	sbr.rel @p0 .LBB2_9-.Ltmp4, $1  }
0x3e: {  	_ =	sdelay $0x3  }
0x3f: {  	s13 =	simm.s32 $0x0  }
0x40: {  	[tilespmem:s13], [sflag:$0x1] =	stream.strided.gather [hbm4b:s6+s9], $0x4000, s10, s9, $0x38;
	[tilespmem:$0x8000] =	vst v63  }
0x41: {  	_ =	swait.ge [sflag:s11], $0x4000  }
0x42: {  	[sflag:s11] =	ssyncset.done $0x0  }
0x43: {  	s13 =	simm.s32 $0x0;
	[sflag:s11] =	ssyncadd.s32 $0xFFFFC000  }
0x44: {  	v1 =	vld [tilespmem:s13+$0x0]  }
0x45: {  	s14 =	simm.s32 $0x40  }
.LBB2_7:
0x46: {  	p1 =	sne.s32 s14, $0xFFC0  }
.Ltmp5:
0x47: {  	_ = 	snop;
	(pc) =	sbr.rel @p1 .LBB2_7-.Ltmp5, $4  }
0x48: {  	_ = 	snop  }
0x49: {  	s15 =	sshra.s32 s14, $0x2;
	s14 =	sadd.s32 $0x40, s14;
	vm0 =	vgt.s32 v1, $0x0  }
0x4a: {  	v1 =	vld [tilespmem:s15+$0x0];
	v2 =	vsel vm0, $0x0, v0  }
0x4b: {  	[tilespmem:s13+$0x4000] =	vst v2;
	s13 =	smov.u32 s15  }
0x4c: {  	_ =	sdelay $0x2  }
0x4d: {  	vm0 =	vgt.s32 v1, $0x0  }
0x4e: {  	v1 =	vsel vm0, $0x0, v0  }
.Ltmp6:
0x4f: {  	[tilespmem:s13+$0x4000] =	vst v1;
	(pc) =	sbr.rel .LBB2_9-.Ltmp6, $4  }
0x50: {  	[hbm4b:s7+s9] =	stream.strided.scatter [tilespmem:s12], [sflag:$0x1], $0x4000, s10, s9, $0x38;
	[tilespmem:$0x8000] =	vst v63  }
0x51: {  	_ =	swait.ge [sflag:s11], $0x4000  }
0x52: {  	[sflag:s11] =	ssyncset.done $0x0  }
0x53: {  	[sflag:s11] =	ssyncadd.s32 $0xFFFFC000  }
.LBB2_10:
0x54: {  	_ =	sfence.sel $0x180000  }
0x55: {  	[bflag:$0x0] =	sbarrier.arrive $0xFFFF  }
0x56: {  	p0 =	sne.s32 s0, $0x0;
	_ =	strace $0x90000047  }
0x57: {  	s0 =	sadd.s32 @!p0 $0x100000, s2;
	[bflag:$0x2] =	sbarrier.arrive $0xFFFF  }
0x58: {  	[sflag:s0] =	ssyncadd.tile.s32 @!p0 $0x1;
	_ =	shalt  }
.Lfunc_end2:
_tile_overlayer_lowered:
.L_overlay_start_2:
0x59: {  	(tag) =	ssettag $0x2  }
0x5a: {  	s0 =	rddreg [dreg:$0x0];
	s2 =	stileid.u32  }
0x5b: {  	s1 =	rddreg [dreg:$0x1];
	p0 =	sne.s32 s2, $0x0  }
0x5c: {  	s3 =	rddreg [dreg:$0x2];
	[bflag:$0x3] =	sbarrier.arrive $0xFFFF;
	s2 =	simm.s32 @!p0 $0x1C01  }
0x5d: {  	[timem:s3], [sflag:s2] =	dma.local @!p0 [hbm:s0], s1  }
0x5e: {  	s0 =	simm.s32 @!p0 $0x1  }
0x5f: {  	_ =	swait.ge @!p0 [sflag:s0], s1  }
0x60: {  	s1 =	ssub.s32 @!p0 $0x0, s1;
	[sflag:s0] =	ssyncset.done @!p0 $0x0  }
0x61: {  	[sflag:s0] =	ssyncadd.s32 @!p0 s1  }
0x62: {  	[bflag:$0x3] =	sbarrier.arrive $0xFFFF  }
0x63: {  	_ =	shalt  }

</sc_bundles>
